<compile_context>
chip_gen: v7x
topology: tpu7x:2x2x1
jax: 0.10.2.dev20260603
libtpu: 0.0.44.dev20260713+nightly
codegen_flags: <defaults>
</compile_context>

<pallas_src>
import functools

import jax
import jax.numpy as jnp
from jax import lax
from jax.experimental import pallas as pl
from jax.experimental.pallas import tpu as pltpu
from jax.experimental.pallas import tpu_sc as plsc

NBINS = 8192
EPS = 1e-08
NC = 2
NS = 16
L = 16
NW = NC * NS
NCOPY = 8
CHUNK = 16384
UNROLL = 8


def _sc_histogram(indices):
    nrow, ncol = indices.shape
    rows_per_chunk = CHUNK // ncol
    rows_per_tile = nrow // NW
    nchunk = rows_per_tile // rows_per_chunk
    assert CHUNK % ncol == 0 and rows_per_tile % rows_per_chunk == 0
    assert nchunk % 2 == 0

    mesh = plsc.VectorSubcoreMesh(core_axis_name="c", subcore_axis_name="s")

    @functools.partial(
        pl.kernel,
        out_type=jax.ShapeDtypeStruct((NW, NBINS), jnp.float32),
        mesh=mesh,
        scratch_types=[
            pltpu.VMEM((2, rows_per_chunk, ncol), jnp.int32),
            pltpu.VMEM((NBINS,), jnp.float32),
            pltpu.SemaphoreType.DMA,
            pltpu.SemaphoreType.DMA,
        ],
        compiler_params=pltpu.CompilerParams(needs_layout_passes=False),
    )
    def hist_kernel(idx_hbm, out_hbm, inbuf, hist, sem0, sem1):
        wid = lax.axis_index("c") * NS + lax.axis_index("s")
        row_base = wid * rows_per_tile
        sems = (sem0, sem1)

        ones = jnp.full((L,), 1.0, jnp.float32)

        @plsc.parallel_loop(0, NBINS // L, unroll=4)
        def _zero(i):
            hist[pl.ds(i * L, L)] = jnp.zeros((L,), jnp.float32)

        def chunk_src(c):
            return idx_hbm.at[pl.ds(row_base + c * rows_per_chunk, rows_per_chunk)]

        for b in range(2):
            pltpu.async_copy(chunk_src(b), inbuf.at[b], sems[b])

        def consume(b):
            for r in range(rows_per_chunk):
                @plsc.parallel_loop(0, ncol // L, unroll=UNROLL)
                def _scatter(i):
                    idx = inbuf[b, r, pl.ds(i * L, L)]
                    plsc.addupdate_scatter(hist, [idx], ones)

        def pair_body(p, c):
            for b in range(2):
                cur = 2 * p + b
                pltpu.make_async_copy(chunk_src(cur), inbuf.at[b], sems[b]).wait()
                consume(b)
                pltpu.async_copy(chunk_src(cur + 2), inbuf.at[b], sems[b])
            return c
        lax.fori_loop(0, nchunk // 2 - 1, pair_body, 0)

        for b in range(2):
            cur = nchunk - 2 + b
            pltpu.make_async_copy(chunk_src(cur), inbuf.at[b], sems[b]).wait()
            consume(b)

        pltpu.sync_copy(hist.at[pl.ds(0, NBINS)], out_hbm.at[wid])

    return hist_kernel(indices)


def _tc_perplexity(partials):

    def body(p_ref, o_ref):
        x = p_ref[...]
        counts = jnp.sum(x, axis=0)
        total = jnp.sum(counts)
        probs = counts / total
        entropy = -jnp.sum(probs * jnp.log(probs + EPS))
        o_ref[...] = jnp.exp(entropy)[None, None]

    return pl.pallas_call(
        body,
        out_shape=jax.ShapeDtypeStruct((1, 1), jnp.float32),
    )(partials)


def kernel(indices):
    partials = _sc_histogram(indices)
    out = _tc_perplexity(partials.reshape(NW, NBINS // 128, 128))
    return out[0, 0]

# --- scband reference (transcript-rebuilt; emitter-appended) ---
"""Pipeline reference for scband-perplexity-73486890434650 (READ-ONLY COPY).

The authoritative reference and input builder live on the scoring server;
editing this copy changes nothing except your own understanding.
"""

import jax, jax.numpy as jnp
import numpy as np

CODEBOOK_SIZE = 8192
EPS = 1e-08

def setup_inputs(seed: int = 0) -> dict:
    key = jax.random.key(seed)
    indices = jax.random.randint(key, (4096, 4096), 0, CODEBOOK_SIZE, dtype=jnp.int64 if jax.config.jax_enable_x64 else jnp.int32).astype(jnp.int32)
    return {"indices": indices}

def reference(indices):
    flat = indices.reshape(-1)
    counts = jnp.bincount(flat, minlength=CODEBOOK_SIZE, length=CODEBOOK_SIZE).astype(jnp.float32)
    probs = counts / jnp.sum(counts)
    return jnp.exp(-jnp.sum(probs * jnp.log(probs + EPS)))

if __name__ == "__main__":
    import jax
    _d = setup_inputs()
    print(jax.jit(kernel)(*tuple(_d.values())))

</pallas_src>

<mosaic_0001>
#map = affine_map<(d0, d1) -> (0, 0)>
module attributes {stable_mosaic.version = 14 : i64} {
  func.func @hist_kernel(%arg0: i32, %arg1: i32, %arg2: memref<4096x4096xi32, #tpu.memory_space<hbm>>, %arg3: memref<32x8192xf32, #tpu.memory_space<hbm>>, %arg4: memref<2x4x4096xi32, #tpu.memory_space<vmem>>, %arg5: memref<8192xf32, #tpu.memory_space<vmem>>, %arg6: memref<!tpu.dma_semaphore, #tpu.memory_space<semaphore_mem>>, %arg7: memref<!tpu.dma_semaphore, #tpu.memory_space<semaphore_mem>>) attributes {dimension_semantics = [#tpu.dimension_semantics<core_parallel>, #tpu.dimension_semantics<subcore_parallel>], iteration_bounds = array<i64: 2, 16>, scalar_prefetch = 0 : i64, scratch_operands = 4 : i64, tpu.core_type = #tpu.core_type<sc_vector_subcore>, window_params = [{transform_indices = #map}, {transform_indices = #map}]} {
    %mul3A = arith.constant 16 : i32
    %mul3A_0 = arith.muli %arg0, %mul3A : i32
    %add3A = arith.addi %mul3A_0, %arg1 : i32
    %mul3A_1 = arith.constant 128 : i32
    %mul3A_2 = arith.muli %add3A, %mul3A_1 : i32
    %broadcast_in_dim3A = arith.constant 1.000000e+00 : f32
    %broadcast_in_dim3A_3 = vector.broadcast %broadcast_in_dim3A : f32 to vector<16xf32>
    %parallel_loop3A = arith.constant 0 : i32
    %parallel_loop3A_4 = arith.constant 512 : i32
    %parallel_loop3A_5 = arith.constant 1 : i32
    scf.for %parallel_loop3A_93 = %parallel_loop3A to %parallel_loop3A_4 step %parallel_loop3A_5  : i32 {
      %parallel_loop3A_94 = arith.constant 0.000000e+00 : f32
      %parallel_loop3A_95 = vector.broadcast %parallel_loop3A_94 : f32 to vector<16xf32>
      %parallel_loop3A_96 = arith.constant 16 : i32
      %parallel_loop3A_97 = arith.muli %parallel_loop3A_93, %parallel_loop3A_96 : i32
      %parallel_loop3A_98 = arith.index_cast %parallel_loop3A_97 : i32 to index
      %parallel_loop3A_99 = tpu.vector_load %arg5[%parallel_loop3A_98] {strides = array<i32>} : memref<8192xf32, #tpu.memory_space<vmem>>, vector<16xf32>,
      tpu.vector_store %arg5[%parallel_loop3A_98], %parallel_loop3A_95 {strides = array<i32>} : memref<8192xf32, #tpu.memory_space<vmem>>, vector<16xf32>,
    } {sc.loop_unroll_factor = 4 : i64, sc.parallel_access}
    %add3A_6 = arith.constant 0 : i32
    %add3A_7 = arith.addi %mul3A_2, %add3A_6 : i32
    %dma_start3A = arith.constant 0 : i32
    %dma_start3A_8 = arith.constant 0 : i32
    %dma_start3A_9 = arith.constant 0 : i32
    %dma_start3A_10 = tpu.memref_slice %arg4[%dma_start3A, %dma_start3A_8, %dma_start3A_9] : memref<2x4x4096xi32, #tpu.memory_space<vmem>> -> memref<1x4x4096xi32, #tpu.memory_space<vmem>>
    %dma_start3A_11 = tpu.memref_squeeze %dma_start3A_10 : memref<1x4x4096xi32, #tpu.memory_space<vmem>> -> memref<4x4096xi32, #tpu.memory_space<vmem>>
    %dma_start3A_12 = arith.constant 0 : i32
    %dma_start3A_13 = tpu.memref_slice %arg2[%add3A_7, %dma_start3A_12] : memref<4096x4096xi32, #tpu.memory_space<hbm>> -> memref<4x4096xi32, #tpu.memory_space<hbm>>
    %dma_start3A_14 = arith.constant 0 : i32
    %dma_start3A_15 = arith.constant 0 : i32
    %dma_start3A_16 = tpu.memref_slice %arg4[%dma_start3A, %dma_start3A_14, %dma_start3A_15] : memref<2x4x4096xi32, #tpu.memory_space<vmem>> -> memref<1x4x4096xi32, #tpu.memory_space<vmem>>
    %dma_start3A_17 = tpu.memref_squeeze %dma_start3A_16 : memref<1x4x4096xi32, #tpu.memory_space<vmem>> -> memref<4x4096xi32, #tpu.memory_space<vmem>>
    %dma_start3A_18 = arith.constant 0 : i32
    %dma_start3A_19 = tpu.memref_slice %arg2[%add3A_7, %dma_start3A_18] : memref<4096x4096xi32, #tpu.memory_space<hbm>> -> memref<4x4096xi32, #tpu.memory_space<hbm>>
    tpu.enqueue_dma source(%dma_start3A_19 : memref<4x4096xi32, #tpu.memory_space<hbm>>) target(%dma_start3A_17 : memref<4x4096xi32, #tpu.memory_space<vmem>>) target_semaphore(%arg6 : memref<!tpu.dma_semaphore, #tpu.memory_space<semaphore_mem>>)
    %add3A_20 = arith.constant 4 : i32
    %add3A_21 = arith.addi %mul3A_2, %add3A_20 : i32
    %dma_start3A_22 = arith.constant 1 : i32
    %dma_start3A_23 = arith.constant 0 : i32
    %dma_start3A_24 = arith.constant 0 : i32
    %dma_start3A_25 = tpu.memref_slice %arg4[%dma_start3A_22, %dma_start3A_23, %dma_start3A_24] : memref<2x4x4096xi32, #tpu.memory_space<vmem>> -> memref<1x4x4096xi32, #tpu.memory_space<vmem>>
    %dma_start3A_26 = tpu.memref_squeeze %dma_start3A_25 : memref<1x4x4096xi32, #tpu.memory_space<vmem>> -> memref<4x4096xi32, #tpu.memory_space<vmem>>
    %dma_start3A_27 = arith.constant 0 : i32
    %dma_start3A_28 = tpu.memref_slice %arg2[%add3A_21, %dma_start3A_27] : memref<4096x4096xi32, #tpu.memory_space<hbm>> -> memref<4x4096xi32, #tpu.memory_space<hbm>>
    %dma_start3A_29 = arith.constant 0 : i32
    %dma_start3A_30 = arith.constant 0 : i32
    %dma_start3A_31 = tpu.memref_slice %arg4[%dma_start3A_22, %dma_start3A_29, %dma_start3A_30] : memref<2x4x4096xi32, #tpu.memory_space<vmem>> -> memref<1x4x4096xi32, #tpu.memory_space<vmem>>
    %dma_start3A_32 = tpu.memref_squeeze %dma_start3A_31 : memref<1x4x4096xi32, #tpu.memory_space<vmem>> -> memref<4x4096xi32, #tpu.memory_space<vmem>>
    %dma_start3A_33 = arith.constant 0 : i32
    %dma_start3A_34 = tpu.memref_slice %arg2[%add3A_21, %dma_start3A_33] : memref<4096x4096xi32, #tpu.memory_space<hbm>> -> memref<4x4096xi32, #tpu.memory_space<hbm>>
    tpu.enqueue_dma source(%dma_start3A_34 : memref<4x4096xi32, #tpu.memory_space<hbm>>) target(%dma_start3A_32 : memref<4x4096xi32, #tpu.memory_space<vmem>>) target_semaphore(%arg7 : memref<!tpu.dma_semaphore, #tpu.memory_space<semaphore_mem>>)
    %scan3A = arith.constant 0 : i32
    %scan3A_35 = arith.constant 0 : i32
    %scan3A_36 = arith.constant 15 : i32
    %scan3A_37 = arith.addi %scan3A_35, %scan3A_36 : i32
    %scan3A_38 = arith.constant 1 : i32
    scf.for %scan3A_93 = %scan3A_35 to %scan3A_37 step %scan3A_38  : i32 {
      %mul3A_94 = arith.constant 2 : i32
      %mul3A_95 = arith.muli %mul3A_94, %scan3A_93 : i32
      %add3A_96 = arith.constant 0 : i32
      %add3A_97 = arith.addi %mul3A_95, %add3A_96 : i32
      %mul3A_98 = arith.constant 4 : i32
      %mul3A_99 = arith.muli %add3A_97, %mul3A_98 : i32
      %add3A_100 = arith.addi %mul3A_2, %mul3A_99 : i32
      %dma_wait3A_101 = arith.constant 0 : i32
      %dma_wait3A_102 = arith.constant 0 : i32
      %dma_wait3A_103 = arith.constant 0 : i32
      %dma_wait3A_104 = tpu.memref_slice %arg4[%dma_wait3A_101, %dma_wait3A_102, %dma_wait3A_103] : memref<2x4x4096xi32, #tpu.memory_space<vmem>> -> memref<1x4x4096xi32, #tpu.memory_space<vmem>>
      %dma_wait3A_105 = tpu.memref_squeeze %dma_wait3A_104 : memref<1x4x4096xi32, #tpu.memory_space<vmem>> -> memref<4x4096xi32, #tpu.memory_space<vmem>>
      %dma_wait3A_106 = arith.constant 0 : i32
      %dma_wait3A_107 = tpu.memref_slice %arg2[%add3A_100, %dma_wait3A_106] : memref<4096x4096xi32, #tpu.memory_space<hbm>> -> memref<4x4096xi32, #tpu.memory_space<hbm>>
      %dma_wait3A_108 = arith.constant 0 : i32
      %dma_wait3A_109 = arith.constant 0 : i32
      %dma_wait3A_110 = tpu.memref_slice %arg4[%dma_wait3A_101, %dma_wait3A_108, %dma_wait3A_109] : memref<2x4x4096xi32, #tpu.memory_space<vmem>> -> memref<1x4x4096xi32, #tpu.memory_space<vmem>>
      %dma_wait3A_111 = tpu.memref_squeeze %dma_wait3A_110 : memref<1x4x4096xi32, #tpu.memory_space<vmem>> -> memref<4x4096xi32, #tpu.memory_space<vmem>>
      %dma_wait3A_112 = arith.constant 0 : i32
      %dma_wait3A_113 = tpu.memref_slice %arg2[%add3A_100, %dma_wait3A_112] : memref<4096x4096xi32, #tpu.memory_space<hbm>> -> memref<4x4096xi32, #tpu.memory_space<hbm>>
      tpu.wait_dma2 semaphore(%arg6 : memref<!tpu.dma_semaphore, #tpu.memory_space<semaphore_mem>>) src(%dma_wait3A_113 : memref<4x4096xi32, #tpu.memory_space<hbm>>) dst(%dma_wait3A_111 : memref<4x4096xi32, #tpu.memory_space<vmem>>)
      %parallel_loop3A_114 = arith.constant 0 : i32
      %parallel_loop3A_115 = arith.constant 256 : i32
      %parallel_loop3A_116 = arith.constant 1 : i32
      scf.for %parallel_loop3A_194 = %parallel_loop3A_114 to %parallel_loop3A_115 step %parallel_loop3A_116  : i32 {
        %parallel_loop3A_195 = arith.constant 16 : i32
        %parallel_loop3A_196 = arith.muli %parallel_loop3A_194, %parallel_loop3A_195 : i32
        %parallel_loop3A_197 = arith.constant 0 : i32
        %parallel_loop3A_198 = arith.constant 0 : i32
        %parallel_loop3A_199 = arith.index_cast %parallel_loop3A_197 : i32 to index
        %parallel_loop3A_200 = arith.index_cast %parallel_loop3A_198 : i32 to index
        %parallel_loop3A_201 = arith.index_cast %parallel_loop3A_196 : i32 to index
        %parallel_loop3A_202 = tpu.vector_load %arg4[%parallel_loop3A_199, %parallel_loop3A_200, %parallel_loop3A_201] {strides = array<i32>} : memref<2x4x4096xi32, #tpu.memory_space<vmem>>, vector<16xi32>,
        tpu.vector_store_idx %arg5[%parallel_loop3A_202], %broadcast_in_dim3A_3 {add = true} : memref<8192xf32, #tpu.memory_space<vmem>>[vector<16xi32>], vector<16xf32>,
      } {sc.loop_unroll_factor = 8 : i64, sc.parallel_access}
      %parallel_loop3A_117 = arith.constant 0 : i32
      %parallel_loop3A_118 = arith.constant 256 : i32
      %parallel_loop3A_119 = arith.constant 1 : i32
      scf.for %parallel_loop3A_194 = %parallel_loop3A_117 to %parallel_loop3A_118 step %parallel_loop3A_119  : i32 {
        %parallel_loop3A_195 = arith.constant 16 : i32
        %parallel_loop3A_196 = arith.muli %parallel_loop3A_194, %parallel_loop3A_195 : i32
        %parallel_loop3A_197 = arith.constant 0 : i32
        %parallel_loop3A_198 = arith.constant 1 : i32
        %parallel_loop3A_199 = arith.index_cast %parallel_loop3A_197 : i32 to index
        %parallel_loop3A_200 = arith.index_cast %parallel_loop3A_198 : i32 to index
        %parallel_loop3A_201 = arith.index_cast %parallel_loop3A_196 : i32 to index
        %parallel_loop3A_202 = tpu.vector_load %arg4[%parallel_loop3A_199, %parallel_loop3A_200, %parallel_loop3A_201] {strides = array<i32>} : memref<2x4x4096xi32, #tpu.memory_space<vmem>>, vector<16xi32>,
        tpu.vector_store_idx %arg5[%parallel_loop3A_202], %broadcast_in_dim3A_3 {add = true} : memref<8192xf32, #tpu.memory_space<vmem>>[vector<16xi32>], vector<16xf32>,
      } {sc.loop_unroll_factor = 8 : i64, sc.parallel_access}
      %parallel_loop3A_120 = arith.constant 0 : i32
      %parallel_loop3A_121 = arith.constant 256 : i32
      %parallel_loop3A_122 = arith.constant 1 : i32
      scf.for %parallel_loop3A_194 = %parallel_loop3A_120 to %parallel_loop3A_121 step %parallel_loop3A_122  : i32 {
        %parallel_loop3A_195 = arith.constant 16 : i32
        %parallel_loop3A_196 = arith.muli %parallel_loop3A_194, %parallel_loop3A_195 : i32
        %parallel_loop3A_197 = arith.constant 0 : i32
        %parallel_loop3A_198 = arith.constant 2 : i32
        %parallel_loop3A_199 = arith.index_cast %parallel_loop3A_197 : i32 to index
        %parallel_loop3A_200 = arith.index_cast %parallel_loop3A_198 : i32 to index
        %parallel_loop3A_201 = arith.index_cast %parallel_loop3A_196 : i32 to index
        %parallel_loop3A_202 = tpu.vector_load %arg4[%parallel_loop3A_199, %parallel_loop3A_200, %parallel_loop3A_201] {strides = array<i32>} : memref<2x4x4096xi32, #tpu.memory_space<vmem>>, vector<16xi32>,
        tpu.vector_store_idx %arg5[%parallel_loop3A_202], %broadcast_in_dim3A_3 {add = true} : memref<8192xf32, #tpu.memory_space<vmem>>[vector<16xi32>], vector<16xf32>,
      } {sc.loop_unroll_factor = 8 : i64, sc.parallel_access}
      %parallel_loop3A_123 = arith.constant 0 : i32
      %parallel_loop3A_124 = arith.constant 256 : i32
      %parallel_loop3A_125 = arith.constant 1 : i32
      scf.for %parallel_loop3A_194 = %parallel_loop3A_123 to %parallel_loop3A_124 step %parallel_loop3A_125  : i32 {
        %parallel_loop3A_195 = arith.constant 16 : i32
        %parallel_loop3A_196 = arith.muli %parallel_loop3A_194, %parallel_loop3A_195 : i32
        %parallel_loop3A_197 = arith.constant 0 : i32
        %parallel_loop3A_198 = arith.constant 3 : i32
        %parallel_loop3A_199 = arith.index_cast %parallel_loop3A_197 : i32 to index
        %parallel_loop3A_200 = arith.index_cast %parallel_loop3A_198 : i32 to index
        %parallel_loop3A_201 = arith.index_cast %parallel_loop3A_196 : i32 to index
        %parallel_loop3A_202 = tpu.vector_load %arg4[%parallel_loop3A_199, %parallel_loop3A_200, %parallel_loop3A_201] {strides = array<i32>} : memref<2x4x4096xi32, #tpu.memory_space<vmem>>, vector<16xi32>,
        tpu.vector_store_idx %arg5[%parallel_loop3A_202], %broadcast_in_dim3A_3 {add = true} : memref<8192xf32, #tpu.memory_space<vmem>>[vector<16xi32>], vector<16xf32>,
      } {sc.loop_unroll_factor = 8 : i64, sc.parallel_access}
      %add3A_126 = arith.constant 2 : i32
      %add3A_127 = arith.addi %add3A_97, %add3A_126 : i32
      %mul3A_128 = arith.constant 4 : i32
      %mul3A_129 = arith.muli %add3A_127, %mul3A_128 : i32
      %add3A_130 = arith.addi %mul3A_2, %mul3A_129 : i32
      %dma_start3A_131 = arith.constant 0 : i32
      %dma_start3A_132 = arith.constant 0 : i32
      %dma_start3A_133 = arith.constant 0 : i32
      %dma_start3A_134 = tpu.memref_slice %arg4[%dma_start3A_131, %dma_start3A_132, %dma_start3A_133] : memref<2x4x4096xi32, #tpu.memory_space<vmem>> -> memref<1x4x4096xi32, #tpu.memory_space<vmem>>
      %dma_start3A_135 = tpu.memref_squeeze %dma_start3A_134 : memref<1x4x4096xi32, #tpu.memory_space<vmem>> -> memref<4x4096xi32, #tpu.memory_space<vmem>>
      %dma_start3A_136 = arith.constant 0 : i32
      %dma_start3A_137 = tpu.memref_slice %arg2[%add3A_130, %dma_start3A_136] : memref<4096x4096xi32, #tpu.memory_space<hbm>> -> memref<4x4096xi32, #tpu.memory_space<hbm>>
      %dma_start3A_138 = arith.constant 0 : i32
      %dma_start3A_139 = arith.constant 0 : i32
      %dma_start3A_140 = tpu.memref_slice %arg4[%dma_start3A_131, %dma_start3A_138, %dma_start3A_139] : memref<2x4x4096xi32, #tpu.memory_space<vmem>> -> memref<1x4x4096xi32, #tpu.memory_space<vmem>>
      %dma_start3A_141 = tpu.memref_squeeze %dma_start3A_140 : memref<1x4x4096xi32, #tpu.memory_space<vmem>> -> memref<4x4096xi32, #tpu.memory_space<vmem>>
      %dma_start3A_142 = arith.constant 0 : i32
      %dma_start3A_143 = tpu.memref_slice %arg2[%add3A_130, %dma_start3A_142] : memref<4096x4096xi32, #tpu.memory_space<hbm>> -> memref<4x4096xi32, #tpu.memory_space<hbm>>
      tpu.enqueue_dma source(%dma_start3A_143 : memref<4x4096xi32, #tpu.memory_space<hbm>>) target(%dma_start3A_141 : memref<4x4096xi32, #tpu.memory_space<vmem>>) target_semaphore(%arg6 : memref<!tpu.dma_semaphore, #tpu.memory_space<semaphore_mem>>)
      %mul3A_144 = arith.constant 2 : i32
      %mul3A_145 = arith.muli %mul3A_144, %scan3A_93 : i32
      %add3A_146 = arith.constant 1 : i32
      %add3A_147 = arith.addi %mul3A_145, %add3A_146 : i32
      %mul3A_148 = arith.constant 4 : i32
      %mul3A_149 = arith.muli %add3A_147, %mul3A_148 : i32
      %add3A_150 = arith.addi %mul3A_2, %mul3A_149 : i32
      %dma_wait3A_151 = arith.constant 1 : i32
      %dma_wait3A_152 = arith.constant 0 : i32
      %dma_wait3A_153 = arith.constant 0 : i32
      %dma_wait3A_154 = tpu.memref_slice %arg4[%dma_wait3A_151, %dma_wait3A_152, %dma_wait3A_153] : memref<2x4x4096xi32, #tpu.memory_space<vmem>> -> memref<1x4x4096xi32, #tpu.memory_space<vmem>>
      %dma_wait3A_155 = tpu.memref_squeeze %dma_wait3A_154 : memref<1x4x4096xi32, #tpu.memory_space<vmem>> -> memref<4x4096xi32, #tpu.memory_space<vmem>>
      %dma_wait3A_156 = arith.constant 0 : i32
      %dma_wait3A_157 = tpu.memref_slice %arg2[%add3A_150, %dma_wait3A_156] : memref<4096x4096xi32, #tpu.memory_space<hbm>> -> memref<4x4096xi32, #tpu.memory_space<hbm>>
      %dma_wait3A_158 = arith.constant 0 : i32
      %dma_wait3A_159 = arith.constant 0 : i32
      %dma_wait3A_160 = tpu.memref_slice %arg4[%dma_wait3A_151, %dma_wait3A_158, %dma_wait3A_159] : memref<2x4x4096xi32, #tpu.memory_space<vmem>> -> memref<1x4x4096xi32, #tpu.memory_space<vmem>>
      %dma_wait3A_161 = tpu.memref_squeeze %dma_wait3A_160 : memref<1x4x4096xi32, #tpu.memory_space<vmem>> -> memref<4x4096xi32, #tpu.memory_space<vmem>>
      %dma_wait3A_162 = arith.constant 0 : i32
      %dma_wait3A_163 = tpu.memref_slice %arg2[%add3A_150, %dma_wait3A_162] : memref<4096x4096xi32, #tpu.memory_space<hbm>> -> memref<4x4096xi32, #tpu.memory_space<hbm>>
      tpu.wait_dma2 semaphore(%arg7 : memref<!tpu.dma_semaphore, #tpu.memory_space<semaphore_mem>>) src(%dma_wait3A_163 : memref<4x4096xi32, #tpu.memory_space<hbm>>) dst(%dma_wait3A_161 : memref<4x4096xi32, #tpu.memory_space<vmem>>)
      %parallel_loop3A_164 = arith.constant 0 : i32
      %parallel_loop3A_165 = arith.constant 256 : i32
      %parallel_loop3A_166 = arith.constant 1 : i32
      scf.for %parallel_loop3A_194 = %parallel_loop3A_164 to %parallel_loop3A_165 step %parallel_loop3A_166  : i32 {
        %parallel_loop3A_195 = arith.constant 16 : i32
        %parallel_loop3A_196 = arith.muli %parallel_loop3A_194, %parallel_loop3A_195 : i32
        %parallel_loop3A_197 = arith.constant 1 : i32
        %parallel_loop3A_198 = arith.constant 0 : i32
        %parallel_loop3A_199 = arith.index_cast %parallel_loop3A_197 : i32 to index
        %parallel_loop3A_200 = arith.index_cast %parallel_loop3A_198 : i32 to index
        %parallel_loop3A_201 = arith.index_cast %parallel_loop3A_196 : i32 to index
        %parallel_loop3A_202 = tpu.vector_load %arg4[%parallel_loop3A_199, %parallel_loop3A_200, %parallel_loop3A_201] {strides = array<i32>} : memref<2x4x4096xi32, #tpu.memory_space<vmem>>, vector<16xi32>,
        tpu.vector_store_idx %arg5[%parallel_loop3A_202], %broadcast_in_dim3A_3 {add = true} : memref<8192xf32, #tpu.memory_space<vmem>>[vector<16xi32>], vector<16xf32>,
      } {sc.loop_unroll_factor = 8 : i64, sc.parallel_access}
      %parallel_loop3A_167 = arith.constant 0 : i32
      %parallel_loop3A_168 = arith.constant 256 : i32
      %parallel_loop3A_169 = arith.constant 1 : i32
      scf.for %parallel_loop3A_194 = %parallel_loop3A_167 to %parallel_loop3A_168 step %parallel_loop3A_169  : i32 {
        %parallel_loop3A_195 = arith.constant 16 : i32
        %parallel_loop3A_196 = arith.muli %parallel_loop3A_194, %parallel_loop3A_195 : i32
        %parallel_loop3A_197 = arith.constant 1 : i32
        %parallel_loop3A_198 = arith.constant 1 : i32
        %parallel_loop3A_199 = arith.index_cast %parallel_loop3A_197 : i32 to index
        %parallel_loop3A_200 = arith.index_cast %parallel_loop3A_198 : i32 to index
        %parallel_loop3A_201 = arith.index_cast %parallel_loop3A_196 : i32 to index
        %parallel_loop3A_202 = tpu.vector_load %arg4[%parallel_loop3A_199, %parallel_loop3A_200, %parallel_loop3A_201] {strides = array<i32>} : memref<2x4x4096xi32, #tpu.memory_space<vmem>>, vector<16xi32>,
        tpu.vector_store_idx %arg5[%parallel_loop3A_202], %broadcast_in_dim3A_3 {add = true} : memref<8192xf32, #tpu.memory_space<vmem>>[vector<16xi32>], vector<16xf32>,
      } {sc.loop_unroll_factor = 8 : i64, sc.parallel_access}
      %parallel_loop3A_170 = arith.constant 0 : i32
      %parallel_loop3A_171 = arith.constant 256 : i32
      %parallel_loop3A_172 = arith.constant 1 : i32
      scf.for %parallel_loop3A_194 = %parallel_loop3A_170 to %parallel_loop3A_171 step %parallel_loop3A_172  : i32 {
        %parallel_loop3A_195 = arith.constant 16 : i32
        %parallel_loop3A_196 = arith.muli %parallel_loop3A_194, %parallel_loop3A_195 : i32
        %parallel_loop3A_197 = arith.constant 1 : i32
        %parallel_loop3A_198 = arith.constant 2 : i32
        %parallel_loop3A_199 = arith.index_cast %parallel_loop3A_197 : i32 to index
        %parallel_loop3A_200 = arith.index_cast %parallel_loop3A_198 : i32 to index
        %parallel_loop3A_201 = arith.index_cast %parallel_loop3A_196 : i32 to index
        %parallel_loop3A_202 = tpu.vector_load %arg4[%parallel_loop3A_199, %parallel_loop3A_200, %parallel_loop3A_201] {strides = array<i32>} : memref<2x4x4096xi32, #tpu.memory_space<vmem>>, vector<16xi32>,
        tpu.vector_store_idx %arg5[%parallel_loop3A_202], %broadcast_in_dim3A_3 {add = true} : memref<8192xf32, #tpu.memory_space<vmem>>[vector<16xi32>], vector<16xf32>,
      } {sc.loop_unroll_factor = 8 : i64, sc.parallel_access}
      %parallel_loop3A_173 = arith.constant 0 : i32
      %parallel_loop3A_174 = arith.constant 256 : i32
      %parallel_loop3A_175 = arith.constant 1 : i32
      scf.for %parallel_loop3A_194 = %parallel_loop3A_173 to %parallel_loop3A_174 step %parallel_loop3A_175  : i32 {
        %parallel_loop3A_195 = arith.constant 16 : i32
        %parallel_loop3A_196 = arith.muli %parallel_loop3A_194, %parallel_loop3A_195 : i32
        %parallel_loop3A_197 = arith.constant 1 : i32
        %parallel_loop3A_198 = arith.constant 3 : i32
        %parallel_loop3A_199 = arith.index_cast %parallel_loop3A_197 : i32 to index
        %parallel_loop3A_200 = arith.index_cast %parallel_loop3A_198 : i32 to index
        %parallel_loop3A_201 = arith.index_cast %parallel_loop3A_196 : i32 to index
        %parallel_loop3A_202 = tpu.vector_load %arg4[%parallel_loop3A_199, %parallel_loop3A_200, %parallel_loop3A_201] {strides = array<i32>} : memref<2x4x4096xi32, #tpu.memory_space<vmem>>, vector<16xi32>,
        tpu.vector_store_idx %arg5[%parallel_loop3A_202], %broadcast_in_dim3A_3 {add = true} : memref<8192xf32, #tpu.memory_space<vmem>>[vector<16xi32>], vector<16xf32>,
      } {sc.loop_unroll_factor = 8 : i64, sc.parallel_access}
      %add3A_176 = arith.constant 2 : i32
      %add3A_177 = arith.addi %add3A_147, %add3A_176 : i32
      %mul3A_178 = arith.constant 4 : i32
      %mul3A_179 = arith.muli %add3A_177, %mul3A_178 : i32
      %add3A_180 = arith.addi %mul3A_2, %mul3A_179 : i32
      %dma_start3A_181 = arith.constant 1 : i32
      %dma_start3A_182 = arith.constant 0 : i32
      %dma_start3A_183 = arith.constant 0 : i32
      %dma_start3A_184 = tpu.memref_slice %arg4[%dma_start3A_181, %dma_start3A_182, %dma_start3A_183] : memref<2x4x4096xi32, #tpu.memory_space<vmem>> -> memref<1x4x4096xi32, #tpu.memory_space<vmem>>
      %dma_start3A_185 = tpu.memref_squeeze %dma_start3A_184 : memref<1x4x4096xi32, #tpu.memory_space<vmem>> -> memref<4x4096xi32, #tpu.memory_space<vmem>>
      %dma_start3A_186 = arith.constant 0 : i32
      %dma_start3A_187 = tpu.memref_slice %arg2[%add3A_180, %dma_start3A_186] : memref<4096x4096xi32, #tpu.memory_space<hbm>> -> memref<4x4096xi32, #tpu.memory_space<hbm>>
      %dma_start3A_188 = arith.constant 0 : i32
      %dma_start3A_189 = arith.constant 0 : i32
      %dma_start3A_190 = tpu.memref_slice %arg4[%dma_start3A_181, %dma_start3A_188, %dma_start3A_189] : memref<2x4x4096xi32, #tpu.memory_space<vmem>> -> memref<1x4x4096xi32, #tpu.memory_space<vmem>>
      %dma_start3A_191 = tpu.memref_squeeze %dma_start3A_190 : memref<1x4x4096xi32, #tpu.memory_space<vmem>> -> memref<4x4096xi32, #tpu.memory_space<vmem>>
      %dma_start3A_192 = arith.constant 0 : i32
      %dma_start3A_193 = tpu.memref_slice %arg2[%add3A_180, %dma_start3A_192] : memref<4096x4096xi32, #tpu.memory_space<hbm>> -> memref<4x4096xi32, #tpu.memory_space<hbm>>
      tpu.enqueue_dma source(%dma_start3A_193 : memref<4x4096xi32, #tpu.memory_space<hbm>>) target(%dma_start3A_191 : memref<4x4096xi32, #tpu.memory_space<vmem>>) target_semaphore(%arg7 : memref<!tpu.dma_semaphore, #tpu.memory_space<semaphore_mem>>)
    }
    %scan3A_39 = arith.constant 15 : i32
    %add3A_40 = arith.constant 120 : i32
    %add3A_41 = arith.addi %mul3A_2, %add3A_40 : i32
    %dma_wait3A = arith.constant 0 : i32
    %dma_wait3A_42 = arith.constant 0 : i32
    %dma_wait3A_43 = arith.constant 0 : i32
    %dma_wait3A_44 = tpu.memref_slice %arg4[%dma_wait3A, %dma_wait3A_42, %dma_wait3A_43] : memref<2x4x4096xi32, #tpu.memory_space<vmem>> -> memref<1x4x4096xi32, #tpu.memory_space<vmem>>
    %dma_wait3A_45 = tpu.memref_squeeze %dma_wait3A_44 : memref<1x4x4096xi32, #tpu.memory_space<vmem>> -> memref<4x4096xi32, #tpu.memory_space<vmem>>
    %dma_wait3A_46 = arith.constant 0 : i32
    %dma_wait3A_47 = tpu.memref_slice %arg2[%add3A_41, %dma_wait3A_46] : memref<4096x4096xi32, #tpu.memory_space<hbm>> -> memref<4x4096xi32, #tpu.memory_space<hbm>>
    %dma_wait3A_48 = arith.constant 0 : i32
    %dma_wait3A_49 = arith.constant 0 : i32
    %dma_wait3A_50 = tpu.memref_slice %arg4[%dma_wait3A, %dma_wait3A_48, %dma_wait3A_49] : memref<2x4x4096xi32, #tpu.memory_space<vmem>> -> memref<1x4x4096xi32, #tpu.memory_space<vmem>>
    %dma_wait3A_51 = tpu.memref_squeeze %dma_wait3A_50 : memref<1x4x4096xi32, #tpu.memory_space<vmem>> -> memref<4x4096xi32, #tpu.memory_space<vmem>>
    %dma_wait3A_52 = arith.constant 0 : i32
    %dma_wait3A_53 = tpu.memref_slice %arg2[%add3A_41, %dma_wait3A_52] : memref<4096x4096xi32, #tpu.memory_space<hbm>> -> memref<4x4096xi32, #tpu.memory_space<hbm>>
    tpu.wait_dma2 semaphore(%arg6 : memref<!tpu.dma_semaphore, #tpu.memory_space<semaphore_mem>>) src(%dma_wait3A_53 : memref<4x4096xi32, #tpu.memory_space<hbm>>) dst(%dma_wait3A_51 : memref<4x4096xi32, #tpu.memory_space<vmem>>)
    %parallel_loop3A_54 = arith.constant 0 : i32
    %parallel_loop3A_55 = arith.constant 256 : i32
    %parallel_loop3A_56 = arith.constant 1 : i32
    scf.for %parallel_loop3A_93 = %parallel_loop3A_54 to %parallel_loop3A_55 step %parallel_loop3A_56  : i32 {
      %parallel_loop3A_94 = arith.constant 16 : i32
      %parallel_loop3A_95 = arith.muli %parallel_loop3A_93, %parallel_loop3A_94 : i32
      %parallel_loop3A_96 = arith.constant 0 : i32
      %parallel_loop3A_97 = arith.constant 0 : i32
      %parallel_loop3A_98 = arith.index_cast %parallel_loop3A_96 : i32 to index
      %parallel_loop3A_99 = arith.index_cast %parallel_loop3A_97 : i32 to index
      %parallel_loop3A_100 = arith.index_cast %parallel_loop3A_95 : i32 to index
      %parallel_loop3A_101 = tpu.vector_load %arg4[%parallel_loop3A_98, %parallel_loop3A_99, %parallel_loop3A_100] {strides = array<i32>} : memref<2x4x4096xi32, #tpu.memory_space<vmem>>, vector<16xi32>,
      tpu.vector_store_idx %arg5[%parallel_loop3A_101], %broadcast_in_dim3A_3 {add = true} : memref<8192xf32, #tpu.memory_space<vmem>>[vector<16xi32>], vector<16xf32>,
    } {sc.loop_unroll_factor = 8 : i64, sc.parallel_access}
    %parallel_loop3A_57 = arith.constant 0 : i32
    %parallel_loop3A_58 = arith.constant 256 : i32
    %parallel_loop3A_59 = arith.constant 1 : i32
    scf.for %parallel_loop3A_93 = %parallel_loop3A_57 to %parallel_loop3A_58 step %parallel_loop3A_59  : i32 {
      %parallel_loop3A_94 = arith.constant 16 : i32
      %parallel_loop3A_95 = arith.muli %parallel_loop3A_93, %parallel_loop3A_94 : i32
      %parallel_loop3A_96 = arith.constant 0 : i32
      %parallel_loop3A_97 = arith.constant 1 : i32
      %parallel_loop3A_98 = arith.index_cast %parallel_loop3A_96 : i32 to index
      %parallel_loop3A_99 = arith.index_cast %parallel_loop3A_97 : i32 to index
      %parallel_loop3A_100 = arith.index_cast %parallel_loop3A_95 : i32 to index
      %parallel_loop3A_101 = tpu.vector_load %arg4[%parallel_loop3A_98, %parallel_loop3A_99, %parallel_loop3A_100] {strides = array<i32>} : memref<2x4x4096xi32, #tpu.memory_space<vmem>>, vector<16xi32>,
      tpu.vector_store_idx %arg5[%parallel_loop3A_101], %broadcast_in_dim3A_3 {add = true} : memref<8192xf32, #tpu.memory_space<vmem>>[vector<16xi32>], vector<16xf32>,
    } {sc.loop_unroll_factor = 8 : i64, sc.parallel_access}
    %parallel_loop3A_60 = arith.constant 0 : i32
    %parallel_loop3A_61 = arith.constant 256 : i32
    %parallel_loop3A_62 = arith.constant 1 : i32
    scf.for %parallel_loop3A_93 = %parallel_loop3A_60 to %parallel_loop3A_61 step %parallel_loop3A_62  : i32 {
      %parallel_loop3A_94 = arith.constant 16 : i32
      %parallel_loop3A_95 = arith.muli %parallel_loop3A_93, %parallel_loop3A_94 : i32
      %parallel_loop3A_96 = arith.constant 0 : i32
      %parallel_loop3A_97 = arith.constant 2 : i32
      %parallel_loop3A_98 = arith.index_cast %parallel_loop3A_96 : i32 to index
      %parallel_loop3A_99 = arith.index_cast %parallel_loop3A_97 : i32 to index
      %parallel_loop3A_100 = arith.index_cast %parallel_loop3A_95 : i32 to index
      %parallel_loop3A_101 = tpu.vector_load %arg4[%parallel_loop3A_98, %parallel_loop3A_99, %parallel_loop3A_100] {strides = array<i32>} : memref<2x4x4096xi32, #tpu.memory_space<vmem>>, vector<16xi32>,
      tpu.vector_store_idx %arg5[%parallel_loop3A_101], %broadcast_in_dim3A_3 {add = true} : memref<8192xf32, #tpu.memory_space<vmem>>[vector<16xi32>], vector<16xf32>,
    } {sc.loop_unroll_factor = 8 : i64, sc.parallel_access}
    %parallel_loop3A_63 = arith.constant 0 : i32
    %parallel_loop3A_64 = arith.constant 256 : i32
    %parallel_loop3A_65 = arith.constant 1 : i32
    scf.for %parallel_loop3A_93 = %parallel_loop3A_63 to %parallel_loop3A_64 step %parallel_loop3A_65  : i32 {
      %parallel_loop3A_94 = arith.constant 16 : i32
      %parallel_loop3A_95 = arith.muli %parallel_loop3A_93, %parallel_loop3A_94 : i32
      %parallel_loop3A_96 = arith.constant 0 : i32
      %parallel_loop3A_97 = arith.constant 3 : i32
      %parallel_loop3A_98 = arith.index_cast %parallel_loop3A_96 : i32 to index
      %parallel_loop3A_99 = arith.index_cast %parallel_loop3A_97 : i32 to index
      %parallel_loop3A_100 = arith.index_cast %parallel_loop3A_95 : i32 to index
      %parallel_loop3A_101 = tpu.vector_load %arg4[%parallel_loop3A_98, %parallel_loop3A_99, %parallel_loop3A_100] {strides = array<i32>} : memref<2x4x4096xi32, #tpu.memory_space<vmem>>, vector<16xi32>,
      tpu.vector_store_idx %arg5[%parallel_loop3A_101], %broadcast_in_dim3A_3 {add = true} : memref<8192xf32, #tpu.memory_space<vmem>>[vector<16xi32>], vector<16xf32>,
    } {sc.loop_unroll_factor = 8 : i64, sc.parallel_access}
    %add3A_66 = arith.constant 124 : i32
    %add3A_67 = arith.addi %mul3A_2, %add3A_66 : i32
    %dma_wait3A_68 = arith.constant 1 : i32
    %dma_wait3A_69 = arith.constant 0 : i32
    %dma_wait3A_70 = arith.constant 0 : i32
    %dma_wait3A_71 = tpu.memref_slice %arg4[%dma_wait3A_68, %dma_wait3A_69, %dma_wait3A_70] : memref<2x4x4096xi32, #tpu.memory_space<vmem>> -> memref<1x4x4096xi32, #tpu.memory_space<vmem>>
    %dma_wait3A_72 = tpu.memref_squeeze %dma_wait3A_71 : memref<1x4x4096xi32, #tpu.memory_space<vmem>> -> memref<4x4096xi32, #tpu.memory_space<vmem>>
    %dma_wait3A_73 = arith.constant 0 : i32
    %dma_wait3A_74 = tpu.memref_slice %arg2[%add3A_67, %dma_wait3A_73] : memref<4096x4096xi32, #tpu.memory_space<hbm>> -> memref<4x4096xi32, #tpu.memory_space<hbm>>
    %dma_wait3A_75 = arith.constant 0 : i32
    %dma_wait3A_76 = arith.constant 0 : i32
    %dma_wait3A_77 = tpu.memref_slice %arg4[%dma_wait3A_68, %dma_wait3A_75, %dma_wait3A_76] : memref<2x4x4096xi32, #tpu.memory_space<vmem>> -> memref<1x4x4096xi32, #tpu.memory_space<vmem>>
    %dma_wait3A_78 = tpu.memref_squeeze %dma_wait3A_77 : memref<1x4x4096xi32, #tpu.memory_space<vmem>> -> memref<4x4096xi32, #tpu.memory_space<vmem>>
    %dma_wait3A_79 = arith.constant 0 : i32
    %dma_wait3A_80 = tpu.memref_slice %arg2[%add3A_67, %dma_wait3A_79] : memref<4096x4096xi32, #tpu.memory_space<hbm>> -> memref<4x4096xi32, #tpu.memory_space<hbm>>
    tpu.wait_dma2 semaphore(%arg7 : memref<!tpu.dma_semaphore, #tpu.memory_space<semaphore_mem>>) src(%dma_wait3A_80 : memref<4x4096xi32, #tpu.memory_space<hbm>>) dst(%dma_wait3A_78 : memref<4x4096xi32, #tpu.memory_space<vmem>>)
    %parallel_loop3A_81 = arith.constant 0 : i32
    %parallel_loop3A_82 = arith.constant 256 : i32
    %parallel_loop3A_83 = arith.constant 1 : i32
    scf.for %parallel_loop3A_93 = %parallel_loop3A_81 to %parallel_loop3A_82 step %parallel_loop3A_83  : i32 {
      %parallel_loop3A_94 = arith.constant 16 : i32
      %parallel_loop3A_95 = arith.muli %parallel_loop3A_93, %parallel_loop3A_94 : i32
      %parallel_loop3A_96 = arith.constant 1 : i32
      %parallel_loop3A_97 = arith.constant 0 : i32
      %parallel_loop3A_98 = arith.index_cast %parallel_loop3A_96 : i32 to index
      %parallel_loop3A_99 = arith.index_cast %parallel_loop3A_97 : i32 to index
      %parallel_loop3A_100 = arith.index_cast %parallel_loop3A_95 : i32 to index
      %parallel_loop3A_101 = tpu.vector_load %arg4[%parallel_loop3A_98, %parallel_loop3A_99, %parallel_loop3A_100] {strides = array<i32>} : memref<2x4x4096xi32, #tpu.memory_space<vmem>>, vector<16xi32>,
      tpu.vector_store_idx %arg5[%parallel_loop3A_101], %broadcast_in_dim3A_3 {add = true} : memref<8192xf32, #tpu.memory_space<vmem>>[vector<16xi32>], vector<16xf32>,
    } {sc.loop_unroll_factor = 8 : i64, sc.parallel_access}
    %parallel_loop3A_84 = arith.constant 0 : i32
    %parallel_loop3A_85 = arith.constant 256 : i32
    %parallel_loop3A_86 = arith.constant 1 : i32
    scf.for %parallel_loop3A_93 = %parallel_loop3A_84 to %parallel_loop3A_85 step %parallel_loop3A_86  : i32 {
      %parallel_loop3A_94 = arith.constant 16 : i32
      %parallel_loop3A_95 = arith.muli %parallel_loop3A_93, %parallel_loop3A_94 : i32
      %parallel_loop3A_96 = arith.constant 1 : i32
      %parallel_loop3A_97 = arith.constant 1 : i32
      %parallel_loop3A_98 = arith.index_cast %parallel_loop3A_96 : i32 to index
      %parallel_loop3A_99 = arith.index_cast %parallel_loop3A_97 : i32 to index
      %parallel_loop3A_100 = arith.index_cast %parallel_loop3A_95 : i32 to index
      %parallel_loop3A_101 = tpu.vector_load %arg4[%parallel_loop3A_98, %parallel_loop3A_99, %parallel_loop3A_100] {strides = array<i32>} : memref<2x4x4096xi32, #tpu.memory_space<vmem>>, vector<16xi32>,
      tpu.vector_store_idx %arg5[%parallel_loop3A_101], %broadcast_in_dim3A_3 {add = true} : memref<8192xf32, #tpu.memory_space<vmem>>[vector<16xi32>], vector<16xf32>,
    } {sc.loop_unroll_factor = 8 : i64, sc.parallel_access}
    %parallel_loop3A_87 = arith.constant 0 : i32
    %parallel_loop3A_88 = arith.constant 256 : i32
    %parallel_loop3A_89 = arith.constant 1 : i32
    scf.for %parallel_loop3A_93 = %parallel_loop3A_87 to %parallel_loop3A_88 step %parallel_loop3A_89  : i32 {
      %parallel_loop3A_94 = arith.constant 16 : i32
      %parallel_loop3A_95 = arith.muli %parallel_loop3A_93, %parallel_loop3A_94 : i32
      %parallel_loop3A_96 = arith.constant 1 : i32
      %parallel_loop3A_97 = arith.constant 2 : i32
      %parallel_loop3A_98 = arith.index_cast %parallel_loop3A_96 : i32 to index
      %parallel_loop3A_99 = arith.index_cast %parallel_loop3A_97 : i32 to index
      %parallel_loop3A_100 = arith.index_cast %parallel_loop3A_95 : i32 to index
      %parallel_loop3A_101 = tpu.vector_load %arg4[%parallel_loop3A_98, %parallel_loop3A_99, %parallel_loop3A_100] {strides = array<i32>} : memref<2x4x4096xi32, #tpu.memory_space<vmem>>, vector<16xi32>,
      tpu.vector_store_idx %arg5[%parallel_loop3A_101], %broadcast_in_dim3A_3 {add = true} : memref<8192xf32, #tpu.memory_space<vmem>>[vector<16xi32>], vector<16xf32>,
    } {sc.loop_unroll_factor = 8 : i64, sc.parallel_access}
    %parallel_loop3A_90 = arith.constant 0 : i32
    %parallel_loop3A_91 = arith.constant 256 : i32
    %parallel_loop3A_92 = arith.constant 1 : i32
    scf.for %parallel_loop3A_93 = %parallel_loop3A_90 to %parallel_loop3A_91 step %parallel_loop3A_92  : i32 {
      %parallel_loop3A_94 = arith.constant 16 : i32
      %parallel_loop3A_95 = arith.muli %parallel_loop3A_93, %parallel_loop3A_94 : i32
      %parallel_loop3A_96 = arith.constant 1 : i32
      %parallel_loop3A_97 = arith.constant 3 : i32
      %parallel_loop3A_98 = arith.index_cast %parallel_loop3A_96 : i32 to index
      %parallel_loop3A_99 = arith.index_cast %parallel_loop3A_97 : i32 to index
      %parallel_loop3A_100 = arith.index_cast %parallel_loop3A_95 : i32 to index
      %parallel_loop3A_101 = tpu.vector_load %arg4[%parallel_loop3A_98, %parallel_loop3A_99, %parallel_loop3A_100] {strides = array<i32>} : memref<2x4x4096xi32, #tpu.memory_space<vmem>>, vector<16xi32>,
      tpu.vector_store_idx %arg5[%parallel_loop3A_101], %broadcast_in_dim3A_3 {add = true} : memref<8192xf32, #tpu.memory_space<vmem>>[vector<16xi32>], vector<16xf32>,
    } {sc.loop_unroll_factor = 8 : i64, sc.parallel_access}
    "tpu.region"() ({
      %run_scoped3A = tpu.sem_alloc : memref<!tpu.dma_semaphore, #tpu.memory_space<semaphore_mem>>
      %dma_start3A_93 = arith.constant 0 : i32
      %dma_start3A_94 = tpu.memref_slice %arg5[%dma_start3A_93] : memref<8192xf32, #tpu.memory_space<vmem>> -> memref<8192xf32, #tpu.memory_space<vmem>>
      %dma_start3A_95 = arith.constant 0 : i32
      %dma_start3A_96 = tpu.memref_slice %arg3[%add3A, %dma_start3A_95] : memref<32x8192xf32, #tpu.memory_space<hbm>> -> memref<1x8192xf32, #tpu.memory_space<hbm>>
      %dma_start3A_97 = tpu.memref_squeeze %dma_start3A_96 : memref<1x8192xf32, #tpu.memory_space<hbm>> -> memref<8192xf32, #tpu.memory_space<hbm>>
      %dma_start3A_98 = arith.constant 0 : i32
      %dma_start3A_99 = tpu.memref_slice %arg3[%add3A, %dma_start3A_98] : memref<32x8192xf32, #tpu.memory_space<hbm>> -> memref<1x8192xf32, #tpu.memory_space<hbm>>
      %dma_start3A_100 = tpu.memref_squeeze %dma_start3A_99 : memref<1x8192xf32, #tpu.memory_space<hbm>> -> memref<8192xf32, #tpu.memory_space<hbm>>
      %dma_start3A_101 = arith.constant 0 : i32
      %dma_start3A_102 = tpu.memref_slice %arg5[%dma_start3A_101] : memref<8192xf32, #tpu.memory_space<vmem>> -> memref<8192xf32, #tpu.memory_space<vmem>>
      tpu.enqueue_dma source(%dma_start3A_102 : memref<8192xf32, #tpu.memory_space<vmem>>) target(%dma_start3A_100 : memref<8192xf32, #tpu.memory_space<hbm>>) target_semaphore(%run_scoped3A : memref<!tpu.dma_semaphore, #tpu.memory_space<semaphore_mem>>)
      %dma_wait3A_103 = arith.constant 0 : i32
      %dma_wait3A_104 = tpu.memref_slice %arg5[%dma_wait3A_103] : memref<8192xf32, #tpu.memory_space<vmem>> -> memref<8192xf32, #tpu.memory_space<vmem>>
      %dma_wait3A_105 = arith.constant 0 : i32
      %dma_wait3A_106 = tpu.memref_slice %arg3[%add3A, %dma_wait3A_105] : memref<32x8192xf32, #tpu.memory_space<hbm>> -> memref<1x8192xf32, #tpu.memory_space<hbm>>
      %dma_wait3A_107 = tpu.memref_squeeze %dma_wait3A_106 : memref<1x8192xf32, #tpu.memory_space<hbm>> -> memref<8192xf32, #tpu.memory_space<hbm>>
      %dma_wait3A_108 = arith.constant 0 : i32
      %dma_wait3A_109 = tpu.memref_slice %arg3[%add3A, %dma_wait3A_108] : memref<32x8192xf32, #tpu.memory_space<hbm>> -> memref<1x8192xf32, #tpu.memory_space<hbm>>
      %dma_wait3A_110 = tpu.memref_squeeze %dma_wait3A_109 : memref<1x8192xf32, #tpu.memory_space<hbm>> -> memref<8192xf32, #tpu.memory_space<hbm>>
      %dma_wait3A_111 = arith.constant 0 : i32
      %dma_wait3A_112 = tpu.memref_slice %arg5[%dma_wait3A_111] : memref<8192xf32, #tpu.memory_space<vmem>> -> memref<8192xf32, #tpu.memory_space<vmem>>
      tpu.wait_dma2 semaphore(%run_scoped3A : memref<!tpu.dma_semaphore, #tpu.memory_space<semaphore_mem>>) src(%dma_wait3A_112 : memref<8192xf32, #tpu.memory_space<vmem>>) dst(%dma_wait3A_110 : memref<8192xf32, #tpu.memory_space<hbm>>)
      tpu.yield
    }) : () -> ()
    return
  }
}

module attributes {stable_mosaic.version = 14 : i64} {
  func.func @body(%arg0: memref<32x64x128xf32, #tpu.memory_space<vmem>>, %arg1: memref<1x1xf32, #tpu.memory_space<vmem>>) attributes {dimension_semantics = [], scalar_prefetch = 0 : i64, scratch_operands = 0 : i64, tpu.core_type = #tpu.core_type<tc>} {
    %get3A = arith.constant 0 : index
    %get3A_0 = arith.constant 0 : index
    %get3A_1 = arith.constant 0 : index
    %get3A_2 = vector.load %arg0[%get3A, %get3A_0, %get3A_1] : memref<32x64x128xf32, #tpu.memory_space<vmem>>, vector<32x64x128xf32>
    %reduce_sum3A = arith.constant dense<0.000000e+00> : vector<64x128xf32>
    %reduce_sum3A_3 = vector.multi_reduction <add>, %get3A_2, %reduce_sum3A [0] : vector<32x64x128xf32> to vector<64x128xf32>
    %reduce_sum3A_4 = vector.shape_cast %reduce_sum3A_3 : vector<64x128xf32> to vector<1x64x128xf32>
    %reduce_sum3A_5 = arith.constant dense<0.000000e+00> : vector<1xf32>
    %reduce_sum3A_6 = vector.multi_reduction <add>, %reduce_sum3A_4, %reduce_sum3A_5 [1, 2] : vector<1x64x128xf32> to vector<1xf32>
    %reduce_sum3A_7 = vector.shape_cast %reduce_sum3A_6 : vector<1xf32> to vector<1x1x1xf32>
    %reduce_sum3A_8 = vector.extract %reduce_sum3A_7[0, 0, 0] : f32 from vector<1x1x1xf32>
    %div3A = vector.broadcast %reduce_sum3A_8 : f32 to vector<64x128xf32>
    %div3A_9 = arith.divf %reduce_sum3A_3, %div3A : vector<64x128xf32>
    %add3A = arith.constant 9.99999993E-9 : f32
    %add3A_10 = vector.broadcast %add3A : f32 to vector<64x128xf32>
    %add3A_11 = arith.addf %div3A_9, %add3A_10 : vector<64x128xf32>
    %log3A = math.log %add3A_11 : vector<64x128xf32>
    %mul3A = arith.mulf %div3A_9, %log3A : vector<64x128xf32>
    %reduce_sum3A_12 = vector.shape_cast %mul3A : vector<64x128xf32> to vector<1x64x128xf32>
    %reduce_sum3A_13 = arith.constant dense<0.000000e+00> : vector<1xf32>
    %reduce_sum3A_14 = vector.multi_reduction <add>, %reduce_sum3A_12, %reduce_sum3A_13 [1, 2] : vector<1x64x128xf32> to vector<1xf32>
    %reduce_sum3A_15 = vector.shape_cast %reduce_sum3A_14 : vector<1xf32> to vector<1x1x1xf32>
    %reduce_sum3A_16 = vector.extract %reduce_sum3A_15[0, 0, 0] : f32 from vector<1x1x1xf32>
    %neg3A = arith.constant 0.000000e+00 : f32
    %neg3A_17 = arith.subf %neg3A, %reduce_sum3A_16 : f32
    %exp3A = math.exp %neg3A_17 : f32
    %broadcast_in_dim3A = vector.broadcast %exp3A : f32 to vector<1x1xf32>
    %swap3A = arith.constant 0 : index
    %swap3A_18 = arith.constant 0 : index
    %swap3A_19 = vector.load %arg1[%swap3A, %swap3A_18] : memref<1x1xf32, #tpu.memory_space<vmem>>, vector<1x1xf32>
    tpu.vector_store %arg1[%swap3A, %swap3A_18], %broadcast_in_dim3A {strides = array<i32>} : memref<1x1xf32, #tpu.memory_space<vmem>>, vector<1x1xf32>,
    return
  }
}

</mosaic_0001>

<sc_bundles>
// kernel: kernel.4.cloned.1.call-start
scs
__scs_entry_jumppad:
0x0: {  	(pc) =	sbr.rel $0x88, $3  }
0x1: {  	(tag) =	ssettag $0x0;
	lr =	simm.s32 $0x1  }
0x2: {  	[smem:$0x3FA0] =	sst lr;
	_ =	strace $0xD0000000  }
0x3: {  	_ = 	snop  }
0x4: {  	_ = 	snop  }
0x5: {  	_ = 	snop  }
0x6: {  	_ = 	snop  }
0x7: {  	_ = 	snop  }
__scs_overlays_trampoline_lowered:
0x8: {  	[smem:$0x3FAF] =	sst s0  }
0x9: {  	[smem:$0x3FB0] =	sst s1  }
0xa: {  	[smem:$0x3FB1] =	sst s2  }
0xb: {  	[smem:$0x3FB2] =	sst s3  }
0xc: {  	[smem:$0x3FB3] =	sst s4  }
0xd: {  	[smem:$0x3FB4] =	sst s5  }
0xe: {  	[smem:$0x3FB5] =	sst s6  }
0xf: {  	[smem:$0x3FB6] =	sst s7  }
0x10: {  	[smem:$0x3FB7] =	sst s8  }
0x11: {  	[smem:$0x3FB8] =	sst s9;
	s0 =	simm.s32 @!p0 $0x0  }
0x12: {  	s1 =	sld [smem:$0x3F9E];
	s0 =	simm.s32 @p0 $0x1  }
0x13: {  	[smem:$0x3FB9] =	sst s0;
	s0 =	simm.s32 @!p1 $0x0  }
0x14: {  	s2 =	sld [smem:$0x3F9D];
	s0 =	simm.s32 @p1 $0x1  }
0x15: {  	[smem:$0x3FBA] =	sst s0;
	s0 =	simm.s32 @!p2 $0x0  }
0x16: {  	s3 =	sld [smem:$0x3FDB];
	s0 =	simm.s32 @p2 $0x1  }
0x17: {  	s4 =	simm.s32 $0x1BF5;
	[smem:$0x3FBC] =	sst s0  }
0x18: {  	s0 =	sld [smem:$0x3F9F];
	_ =	swait.ge [sflag:s4], $0x0  }
0x19: {  	s7 =	sld [smem:$0x3FA0]  }
0x1a: {  	s8 =	sadd.s32 $0xFFFFE003, lr  }
0x1b: {  	s9 =	sadd.s32 $0xFFFFFEF7, lr;
	s5 =	simm.s32 $0xFFFFFFFF;
	p2 =	slt.u32 s8, $0xFFFFF086  }
0x1c: {  	p1 =	slt.u32 s9, $0xF7A;
	s5 =	simm.s32 @!p2 $0x0  }
0x1d: {  	s5 =	simm.s32 @p1 $0x1;
	p0 =	seq.s32 s7, s2  }
0x1e: {  	s7 =	smul.u32 @!p0 $0xF7A, s2;
	p2 =	seq.s32 @!p0 s5, $0x0  }
0x1f: {  	s9 =	smul.u32 $0xF7A, s1;
	s8 =	simm.s32 @!p0 $0x1BF5;
	p2 =	por !p2, p0  }
0x20: {  	[sflag:s8] =	ssyncset.s32 @!p0 $0xFFFFF086;
	s6 =	sadd.s32 @!p0 s3, s7;
	s7 =	simm.s32 @!p0 $0x108  }
0x21: {  	s3 =	sadd.s32 s3, s9;
	s6 =	sadd.s32 @!p0 $0x88, s6;
	s7 =	simm.s32 @p2 $0x1082  }
0x22: {  	[simem:s7], [sflag:s8] =	dma.local @!p0 [hbm:s6], $0xF7A  }
0x23: {  	s9 =	sor.u32 $0xD0000000, s2;
	s6 =	simm.s32 $0x108;
	_ =	swait.ge @!p0 [sflag:s8], $0x0  }
0x24: {  	s3 =	sadd.s32 $0x88, s3;
	s6 =	simm.s32 @!p1 $0x1082;
	[sflag:s4] =	ssyncset.s32 $0xFFFFF086  }
0x25: {  	[simem:s6], [sflag:s4] =	dma.local [hbm:s3], $0xF7A  }
0x26: {  	[smem:$0x3FA0] =	sst s1;
	(tag) =	ssettag s2;
	_ =	strace s9  }
0x27: {  	s1 =	sld [smem:$0x3FB0]  }
0x28: {  	s2 =	sld [smem:$0x3FB1]  }
0x29: {  	s4 =	sld [smem:$0x3FB3]  }
0x2a: {  	p0 =	seq.s32 s5, $0x0;
	s5 =	sld [smem:$0x3FB4]  }
0x2b: {  	s6 =	sld [smem:$0x3FB5]  }
0x2c: {  	s7 =	sld [smem:$0x3FB6]  }
0x2d: {  	s3 =	simm.s32 $0x108;
	s8 =	sld [smem:$0x3FB7]  }
0x2e: {  	s3 =	simm.s32 @!p0 $0x1082;
	s9 =	sld [smem:$0x3FB8]  }
0x2f: {  	lr =	sadd.s32 s0, s3;
	s0 =	sld [smem:$0x3FAF]  }
0x30: {  	s3 =	sld [smem:$0x3FB2]  }
0x31: {  	[smem:$0x3FBB] =	sst s10  }
0x32: {  	s10 =	sld [smem:$0x3FB9];
	_ =	sdelay $0x3  }
0x33: {  	p0 =	seq.s32 s10, $0x1;
	s10 =	sld [smem:$0x3FBB];
	_ =	sdelay $0x3  }
0x34: {  	[smem:$0x3FBB] =	sst s10  }
0x35: {  	s10 =	sld [smem:$0x3FBA];
	_ =	sdelay $0x3  }
0x36: {  	p1 =	seq.s32 s10, $0x1;
	s10 =	sld [smem:$0x3FBB];
	_ =	sdelay $0x3  }
0x37: {  	[smem:$0x3FBB] =	sst s10  }
0x38: {  	s10 =	sld [smem:$0x3FBC]  }
0x39: {  	_ = 	snop;
	(pc) =	sbr.ind lr, $3  }
0x3a: {  	_ = 	snop  }
0x3b: {  	_ = 	snop  }
0x3c: {  	p2 =	seq.s32 s10, $0x1;
	s10 =	sld [smem:$0x3FBB]  }
0x3d: {  	_ =	shalt  }
0x3e: {  	_ =	shalt  }
0x3f: {  	_ =	shalt  }
0x40: {  	_ =	shalt  }
0x41: {  	_ =	shalt  }
0x42: {  	_ =	shalt  }
0x43: {  	_ =	shalt  }
0x44: {  	_ =	shalt  }
0x45: {  	_ =	shalt  }
0x46: {  	_ =	shalt  }
0x47: {  	_ =	shalt  }
0x48: {  	_ =	shalt  }
0x49: {  	_ =	shalt  }
0x4a: {  	_ =	shalt  }
0x4b: {  	_ =	shalt  }
0x4c: {  	_ =	shalt  }
0x4d: {  	_ =	shalt  }
0x4e: {  	_ =	shalt  }
0x4f: {  	_ =	shalt  }
0x50: {  	_ =	shalt  }
0x51: {  	_ =	shalt  }
0x52: {  	_ =	shalt  }
0x53: {  	_ =	shalt  }
0x54: {  	_ =	shalt  }
0x55: {  	_ =	shalt  }
0x56: {  	_ =	shalt  }
0x57: {  	_ =	shalt  }
0x58: {  	_ =	shalt  }
0x59: {  	_ =	shalt  }
0x5a: {  	_ =	shalt  }
0x5b: {  	_ =	shalt  }
0x5c: {  	_ =	shalt  }
0x5d: {  	_ =	shalt  }
0x5e: {  	_ =	shalt  }
0x5f: {  	_ =	shalt  }
0x60: {  	_ =	shalt  }
0x61: {  	_ =	shalt  }
0x62: {  	_ =	shalt  }
0x63: {  	_ =	shalt  }
0x64: {  	_ =	shalt  }
0x65: {  	_ =	shalt  }
0x66: {  	_ =	shalt  }
0x67: {  	_ =	shalt  }
0x68: {  	_ =	shalt  }
0x69: {  	_ =	shalt  }
0x6a: {  	_ =	shalt  }
0x6b: {  	_ =	shalt  }
0x6c: {  	_ =	shalt  }
0x6d: {  	_ =	shalt  }
0x6e: {  	_ =	shalt  }
0x6f: {  	_ =	shalt  }
0x70: {  	_ =	shalt  }
0x71: {  	_ =	shalt  }
0x72: {  	_ =	shalt  }
0x73: {  	_ =	shalt  }
0x74: {  	_ =	shalt  }
0x75: {  	_ =	shalt  }
0x76: {  	_ =	shalt  }
0x77: {  	_ =	shalt  }
0x78: {  	_ =	shalt  }
0x79: {  	_ =	shalt  }
0x7a: {  	_ =	shalt  }
0x7b: {  	_ =	shalt  }
0x7c: {  	_ =	shalt  }
0x7d: {  	_ =	shalt  }
0x7e: {  	_ =	shalt  }
0x7f: {  	_ =	shalt  }
0x80: {  	_ =	shalt  }
0x81: {  	_ =	shalt  }
0x82: {  	_ =	shalt  }
0x83: {  	_ =	shalt  }
0x84: {  	_ =	shalt  }
0x85: {  	_ =	shalt  }
0x86: {  	_ =	shalt  }
0x87: {  	_ =	shalt  }
.Lfunc_end0:
.L_simem_size_0:
called_computation_lowered:
.L_overlay_start_0:
0x88: {  	s2 =	sld [smem:$0x3FD9]  }
0x89: {  	s3 =	sld [smem:$0x3FFE];
	_ =	sdelay $0x1  }
0x8a: {  	s1 =	srdreg.scid  }
0x8b: {  	s0 =	sand.u32 $0x1, s1  }
0x8c: {  	s17 =	sshll.u32 s0, $0xA;
	s2 =	sadd.s32 s3, s2  }
0x8d: {  	s2 =	sadd.s32 s2, s17  }
0x8e: {  	[smem:$0x3FC7] =	sst s2  }
0x8f: {  	_ = 	snop  }
0x90: {  	s2 =	sld [smem:$0x3FC9];
	(tm) =	ssettm $0x1  }
0x91: {  	s18 =	sld [smem:$0x3FFB];
	_ =	sdelay $0x3  }
0x92: {  	_ =	strace s18  }
0x93: {  	s3 =	sld [smem:$0x3FFC];
	_ =	sdelay $0x3  }
0x94: {  	_ =	strace s3  }
0x95: {  	s3 =	sld [smem:$0x3FFD];
	_ =	sdelay $0x3  }
0x96: {  	_ =	strace s3  }
0x97: {  	_ =	strace $0x8FFFFFFF  }
0x98: {  	s19 =	sld [smem:$0x3FDB];
	_ =	sdelay $0x1  }
0x99: {  	s4 =	simm.s32 $_scs_section_size  }
0x9a: {  	s5 =	simm.s32 $_size__tile_overlayer_lowered;
	s6 =	simm.s32 $_tile_overlayer_lowered  }
0x9b: {  	s22 =	simm.s32 $0x1BFF;
	s21 =	sshll.u32 s6, $0x1;
	s3 =	sadd.s32 s4, s19  }
0x9c: {  	s7 =	simm.s32 $0x0;
	s20 =	sshll.u32 s5, $0x1;
	s5 =	sadd.s32 s21, s3  }
0x9d: {  	[timem:s7], [sflag:s22] =	dma.local [hbm:s5], s20  }
0x9e: {  	_ =	swait.ge [sflag:s22], s20  }
0x9f: {  	s4 =	ssub.s32 $0x0, s20;
	[sflag:s22] =	ssyncset.done $0x0  }
0xa0: {  	[sflag:s22] =	ssyncadd.s32 s4;
	_ =	sdelay $0x1  }
0xa1: {  	s23 =	simm.s32 $0x1B8B  }
0xa2: {  	_ =	swait.ge [sflag:s23], $0x1  }
0xa3: {  	[sflag:s23] =	ssyncset.done $0x0  }
0xa4: {  	s25 =	simm.s32 $0x1B8E;
	s24 =	sld [smem:$0x3FFE];
	[sflag:s23] =	ssyncadd.s32 $0xFFFFFFFF  }
0xa5: {  	s26 =	simm.s32 $execute0_lowered;
	[smem:$0x3FD2] =	sst s25  }
0xa6: {  	s5 =	sshll.u32 s26, $0x1;
	_ =	strace $0x80000046;
	[dreg:$0x1] =	wrdreg $0xFFFFFFFF  }
0xa7: {  	s28 =	simm.s32 $_size_execute0_lowered;
	s3 =	sadd.s32 s3, s5;
	[dreg:$0x0] =	wrdreg $0x0  }
0xa8: {  	s5 =	sshll.u32 s28, $0x1;
	[dreg:$0x2] =	wrdreg s3  }
0xa9: {  	[dreg:$0x3] =	wrdreg s5  }
0xaa: {  	[dreg:$0x4] =	wrdreg $0xC0  }
0xab: {  	_ =	task [dreg:s7], $0x5FFFF  }
0xac: {  	[dreg:$0x1] =	wrdreg $0xFFFFFFFF  }
0xad: {  	[dreg:$0x0] =	wrdreg $0x60  }
0xae: {  	[dreg:$0x2] =	wrdreg s2  }
0xaf: {  	[dreg:$0x3] =	wrdreg s24  }
0xb0: {  	[dreg:$0x4] =	wrdreg $0x9  }
0xb1: {  	_ =	task.clear_ibuf [dreg:s7], $0x5FFFF;
	_ =	strace $0x90000046  }
0xb2: {  	s29 =	simm.s32 $0x9;
	_ =	strace $0x80000048  }
0xb3: {  	_ =	swait.ge [sflag:s29], $0x1  }
0xb4: {  	[sflag:s29] =	ssyncadd.s32 $0xFFFFFFFF  }
0xb5: {  	_ =	strace $0x90000048  }
0xb6: {  	_ =	sfence  }
0xb7: {  	s30 =	sld [smem:$0x0];
	_ =	sdelay $0x2  }
0xb8: {  	s31 =	sshll.u32 s1, $0xD;
	s1 =	sshrl.u32 s1, $0x2  }
0xb9: {  	s3 =	sand.u32 $0x4000, s31;
	s1 =	sadd.s32 s1, s30  }
0xba: {  	s0 =	sor.u32 s3, s0;
	s1 =	sshll.u32 s1, $0x11  }
0xbb: {  	s0 =	sor.u32 s1, s0  }
0xbc: {  	s0 =	sadd.s32 $0x8F2B, s0  }
0xbd: {  	[sflag:s0] =	ssyncadd.remote.s32 $0x1  }
0xbe: {  	_ =	sfence.sel $0xFFFF  }
0xbf: {  	[dreg:$0x0] =	wrdreg $0xFFFFFFFF;
	(pc) =	sbr.abs _section_cstart, $3  }
0xc0: {  	[dreg:$0x1] =	wrdreg $0xFFFFFFFF  }
0xc1: {  	_ =	task.clear_ibuf [dreg:s7], $0x2FFFF;
	_ =	strace $0x9FFFFFFF  }
0xc2: {  	(tm) =	ssettm $0x7FFFFFFF  }
0xc3: {  	_ =	shalt  }
tec
execute0_lowered:
.L_overlay_start_1:
0x0: {  	(tag) =	ssettag $0x1  }
0x1: {  	s1 =	rddreg [dreg:$0x0]  }
0x2: {  	s4 =	rddreg [dreg:$0x1]  }
0x3: {  	s0 =	rddreg [dreg:$0x2]  }
0x4: {  	s3 =	simm.s32 $0x0;
	s5 =	srdreg.scid;
	s2 =	stileid.u32  }
0x5: {  	s11 =	simm.s32 $0x400;
	s12 =	simm.s32 $0x4000;
	s13 =	simm.s32 $0x1  }
0x6: {  	s14 =	simm.s32 $0x8000;
	s15 =	simm.s32 $0x2;
	s16 =	simm.s32 $0x80  }
0x7: {  	s17 =	simm.s32 $0x3;
	s18 =	simm.s32 $0x0;
	[smem:$0x7FF] =	sst s3  }
0x8: {  	s5 =	sand.u32 $0x1, s5;
	s6 =	sshll.u32 s2, $0x4;
	_ =	strace $0x80000047  }
0x9: {  	s7 =	ssub.s32 $0x2, s5;
	s5 =	sshll.u32 s5, $0x4;
	s6 =	sand.u32 $0x70, s6  }
0xa: {  	s8 =	sshrl.u32 s7, $0x1;
	s5 =	sor.u32 s2, s5;
	s9 =	sadd.s32 s6, s4  }
0xb: {  	s4 =	sadd.s32 $0x40, s1;
	s29 =	sshll.u32 s5, $0xA;
	s30 =	sshll.u32 s5, $0x10  }
0xc: {  	s10 =	ssub.s32 s7, s8;
	s31 =	sand.u32 $0x6000, s29;
	s5 =	sadd.s32 s1, s30  }
0xd: {  	s6 =	sadd.s32 s30, s4;
	s7 =	sor.u32 $0x1000, s30;
	s8 =	sadd.s32 s31, s9  }
0xe: {  	v0 =	vimm.f32 $0.0e+00;
	v1 =	vimm.f32 $1.000000000e+00;
	s9 =	smax.u32 s10, $0x1;
	s10 =	simm.s32 $0x200;
	s8 =	sadd.s32 $0x400, s8  }
.LBB2_1:
0xf: {  	s19 =	simm.s32 $0x8020  }
0x10: {  	[tilespmem:s19+$0xFFFFFFE0] =	vst v0  }
0x11: {  	[tilespmem:s19+$0x10] =	vst v0  }
0x12: {  	s20 =	simm.s32 $0x0;
	[tilespmem:s19+$0x0] =	vst v0  }
.LBB2_2:
0x13: {  	s20 =	sadd.s32 $0x4, s20  }
0x14: {  	[tilespmem:s19+$0xFFFFFFF0] =	vst v0;
	s19 =	sadd.s32 $0x40, s19;
	p0 =	slt.u32 s20, $0x1FC  }
.Ltmp0:
0x15: {  	[tilespmem:s19+$0xFFFFFFE0] =	vst v0;
	(pc) =	sbr.rel @p0 .LBB2_2-.Ltmp0, $3  }
0x16: {  	_ =	sdelay $0x1  }
0x17: {  	[tilespmem:s19+$0x10] =	vst v0  }
0x18: {  	[tilespmem:s19+$0x0] =	vst v0  }
0x19: {  	[tilespmem:s19+$0xFFFFFFF0] =	vst v0;
	s19 =	simm.s32 $0x0  }
0x1a: {  	[tilespmem:s19], [sflag:$0x1] =	stream.strided.gather [hbm4b:s5+s10], $0x4000, s11, s10, $0x38;
	[tilespmem:$0xA000] =	vst v63  }
0x1b: {  	_ = 	snop  }
0x1c: {  	[tilespmem:s12], [sflag:$0x2] =	stream.strided.gather [hbm4b:s6+s10], $0x4000, s11, s10, $0x38;
	[tilespmem:$0xA000] =	vst v63  }
.LBB2_4:
0x1d: {  	_ =	swait.ge [sflag:s13], $0x4000  }
0x1e: {  	[sflag:s13] =	ssyncset.done $0x0  }
0x1f: {  	s20 =	simm.s32 $0x40;
	[sflag:s13] =	ssyncadd.s32 $0xFFFFC000  }
0x20: {  	v3 =	vld [tilespmem:s20+$0xFFFFFFC0]  }
0x21: {  	v4 =	vld [tilespmem:s20+$0x30]  }
0x22: {  	v5 =	vld [tilespmem:s20+$0x20]  }
0x23: {  	v6 =	vld [tilespmem:s20+$0x10]  }
0x24: {  	v7 =	vld [tilespmem:s20+$0x0]  }
0x25: {  	v8 =	vld [tilespmem:s20+$0xFFFFFFF0]  }
0x26: {  	v9 =	vld [tilespmem:s20+$0xFFFFFFE0]  }
0x27: {  	v2 =	vld [tilespmem:s20+$0xFFFFFFD0]  }
0x28: {  	[tilespmem:v3+s14+$0x0] =	vst.idx.add.f32.msk $0xffff, v1  }
0x29: {  	[tilespmem:v4+s14+$0x0] =	vst.idx.add.f32.msk $0xffff, v1  }
0x2a: {  	[tilespmem:v5+s14+$0x0] =	vst.idx.add.f32.msk $0xffff, v1  }
0x2b: {  	[tilespmem:v6+s14+$0x0] =	vst.idx.add.f32.msk $0xffff, v1  }
0x2c: {  	[tilespmem:v7+s14+$0x0] =	vst.idx.add.f32.msk $0xffff, v1  }
0x2d: {  	[tilespmem:v8+s14+$0x0] =	vst.idx.add.f32.msk $0xffff, v1  }
0x2e: {  	s22 =	simm.s32 $0x0;
	[tilespmem:v9+s14+$0x0] =	vst.idx.add.f32.msk $0xffff, v1  }
.LBB2_5:
0x2f: {  	s22 =	sadd.s32 $0x8, s22;
	[tilespmem:v2+s14+$0x0] =	vst.idx.add.f32.msk $0xffff, v1;
	s20 =	sadd.s32 $0x200, s20;
	s21 =	simm.s32 $0xF0  }
0x30: {  	v3 =	vld [tilespmem:s20+$0xFFFFFFC0];
	p0 =	slt.u32 s22, $0xF8  }
0x31: {  	v4 =	vld [tilespmem:s20+$0x30]  }
0x32: {  	v5 =	vld [tilespmem:s20+$0x20]  }
0x33: {  	v6 =	vld [tilespmem:s20+$0x10]  }
0x34: {  	v7 =	vld [tilespmem:s20+$0x0]  }
0x35: {  	v8 =	vld [tilespmem:s20+$0xFFFFFFF0]  }
0x36: {  	v9 =	vld [tilespmem:s20+$0xFFFFFFE0]  }
0x37: {  	v2 =	vld [tilespmem:s20+$0xFFFFFFD0]  }
0x38: {  	[tilespmem:v3+s14+$0x0] =	vst.idx.add.f32.msk $0xffff, v1  }
0x39: {  	[tilespmem:v4+s14+$0x0] =	vst.idx.add.f32.msk $0xffff, v1  }
.Ltmp1:
0x3a: {  	[tilespmem:v5+s14+$0x0] =	vst.idx.add.f32.msk $0xffff, v1;
	(pc) =	sbr.rel @p0 .LBB2_5-.Ltmp1, $4  }
0x3b: {  	[tilespmem:v6+s14+$0x0] =	vst.idx.add.f32.msk $0xffff, v1  }
0x3c: {  	[tilespmem:v7+s14+$0x0] =	vst.idx.add.f32.msk $0xffff, v1  }
0x3d: {  	[tilespmem:v8+s14+$0x0] =	vst.idx.add.f32.msk $0xffff, v1  }
0x3e: {  	[tilespmem:v9+s14+$0x0] =	vst.idx.add.f32.msk $0xffff, v1  }
0x3f: {  	_ =	sdelay $0x3  }
0x40: {  	[tilespmem:v2+s14+$0x0] =	vst.idx.add.f32.msk $0xffff, v1  }
0x41: {  	v3 =	vld [tilespmem:s21+$0xFFFFFF90]  }
0x42: {  	v4 =	vld [tilespmem:s21+$0x0]  }
0x43: {  	v5 =	vld [tilespmem:s21+$0xFFFFFFF0]  }
0x44: {  	v6 =	vld [tilespmem:s21+$0xFFFFFFE0]  }
0x45: {  	v7 =	vld [tilespmem:s21+$0xFFFFFFD0]  }
0x46: {  	v8 =	vld [tilespmem:s21+$0xFFFFFFC0]  }
0x47: {  	v9 =	vld [tilespmem:s21+$0xFFFFFFB0]  }
0x48: {  	v2 =	vld [tilespmem:s21+$0xFFFFFFA0]  }
0x49: {  	[tilespmem:v3+s14+$0x0] =	vst.idx.add.f32.msk $0xffff, v1  }
0x4a: {  	[tilespmem:v4+s14+$0x0] =	vst.idx.add.f32.msk $0xffff, v1  }
0x4b: {  	[tilespmem:v5+s14+$0x0] =	vst.idx.add.f32.msk $0xffff, v1  }
0x4c: {  	[tilespmem:v6+s14+$0x0] =	vst.idx.add.f32.msk $0xffff, v1  }
0x4d: {  	[tilespmem:v7+s14+$0x0] =	vst.idx.add.f32.msk $0xffff, v1  }
0x4e: {  	[tilespmem:v8+s14+$0x0] =	vst.idx.add.f32.msk $0xffff, v1  }
0x4f: {  	s22 =	simm.s32 $0x0;
	s20 =	simm.s32 $0x170;
	[tilespmem:v9+s14+$0x0] =	vst.idx.add.f32.msk $0xffff, v1  }
.LBB2_7:
0x50: {  	s22 =	sadd.s32 $0x8, s22;
	[tilespmem:v2+s14+$0x0] =	vst.idx.add.f32.msk $0xffff, v1;
	s21 =	sadd.s32 $0x200, s21  }
0x51: {  	v3 =	vld [tilespmem:s21+$0xFFFFFF90];
	p0 =	slt.u32 s22, $0xF8  }
0x52: {  	v4 =	vld [tilespmem:s21+$0x0]  }
0x53: {  	v5 =	vld [tilespmem:s21+$0xFFFFFFF0]  }
0x54: {  	v6 =	vld [tilespmem:s21+$0xFFFFFFE0]  }
0x55: {  	v7 =	vld [tilespmem:s21+$0xFFFFFFD0]  }
0x56: {  	v8 =	vld [tilespmem:s21+$0xFFFFFFC0]  }
0x57: {  	v9 =	vld [tilespmem:s21+$0xFFFFFFB0]  }
0x58: {  	v2 =	vld [tilespmem:s21+$0xFFFFFFA0]  }
0x59: {  	[tilespmem:v3+s14+$0x0] =	vst.idx.add.f32.msk $0xffff, v1  }
0x5a: {  	[tilespmem:v4+s14+$0x0] =	vst.idx.add.f32.msk $0xffff, v1  }
.Ltmp2:
0x5b: {  	[tilespmem:v5+s14+$0x0] =	vst.idx.add.f32.msk $0xffff, v1;
	(pc) =	sbr.rel @p0 .LBB2_7-.Ltmp2, $4  }
0x5c: {  	[tilespmem:v6+s14+$0x0] =	vst.idx.add.f32.msk $0xffff, v1  }
0x5d: {  	[tilespmem:v7+s14+$0x0] =	vst.idx.add.f32.msk $0xffff, v1  }
0x5e: {  	[tilespmem:v8+s14+$0x0] =	vst.idx.add.f32.msk $0xffff, v1  }
0x5f: {  	[tilespmem:v9+s14+$0x0] =	vst.idx.add.f32.msk $0xffff, v1  }
0x60: {  	_ =	sdelay $0x3  }
0x61: {  	[tilespmem:v2+s14+$0x0] =	vst.idx.add.f32.msk $0xffff, v1  }
0x62: {  	v3 =	vld [tilespmem:s20+$0xFFFFFF90]  }
0x63: {  	v4 =	vld [tilespmem:s20+$0x0]  }
0x64: {  	v5 =	vld [tilespmem:s20+$0xFFFFFFF0]  }
0x65: {  	v6 =	vld [tilespmem:s20+$0xFFFFFFE0]  }
0x66: {  	v7 =	vld [tilespmem:s20+$0xFFFFFFD0]  }
0x67: {  	v8 =	vld [tilespmem:s20+$0xFFFFFFC0]  }
0x68: {  	v9 =	vld [tilespmem:s20+$0xFFFFFFB0]  }
0x69: {  	v2 =	vld [tilespmem:s20+$0xFFFFFFA0]  }
0x6a: {  	[tilespmem:v3+s14+$0x0] =	vst.idx.add.f32.msk $0xffff, v1  }
0x6b: {  	[tilespmem:v4+s14+$0x0] =	vst.idx.add.f32.msk $0xffff, v1  }
0x6c: {  	[tilespmem:v5+s14+$0x0] =	vst.idx.add.f32.msk $0xffff, v1  }
0x6d: {  	[tilespmem:v6+s14+$0x0] =	vst.idx.add.f32.msk $0xffff, v1  }
0x6e: {  	[tilespmem:v7+s14+$0x0] =	vst.idx.add.f32.msk $0xffff, v1  }
0x6f: {  	[tilespmem:v8+s14+$0x0] =	vst.idx.add.f32.msk $0xffff, v1  }
0x70: {  	s22 =	simm.s32 $0x0;
	[tilespmem:v9+s14+$0x0] =	vst.idx.add.f32.msk $0xffff, v1  }
.LBB2_9:
0x71: {  	s22 =	sadd.s32 $0x8, s22;
	[tilespmem:v2+s14+$0x0] =	vst.idx.add.f32.msk $0xffff, v1;
	s20 =	sadd.s32 $0x200, s20;
	s21 =	simm.s32 $0x1F0  }
0x72: {  	v3 =	vld [tilespmem:s20+$0xFFFFFF90];
	p0 =	slt.u32 s22, $0xF8  }
0x73: {  	v4 =	vld [tilespmem:s20+$0x0]  }
0x74: {  	v5 =	vld [tilespmem:s20+$0xFFFFFFF0]  }
0x75: {  	v6 =	vld [tilespmem:s20+$0xFFFFFFE0]  }
0x76: {  	v7 =	vld [tilespmem:s20+$0xFFFFFFD0]  }
0x77: {  	v8 =	vld [tilespmem:s20+$0xFFFFFFC0]  }
0x78: {  	v9 =	vld [tilespmem:s20+$0xFFFFFFB0]  }
0x79: {  	v2 =	vld [tilespmem:s20+$0xFFFFFFA0]  }
0x7a: {  	[tilespmem:v3+s14+$0x0] =	vst.idx.add.f32.msk $0xffff, v1  }
0x7b: {  	[tilespmem:v4+s14+$0x0] =	vst.idx.add.f32.msk $0xffff, v1  }
.Ltmp3:
0x7c: {  	[tilespmem:v5+s14+$0x0] =	vst.idx.add.f32.msk $0xffff, v1;
	(pc) =	sbr.rel @p0 .LBB2_9-.Ltmp3, $4  }
0x7d: {  	[tilespmem:v6+s14+$0x0] =	vst.idx.add.f32.msk $0xffff, v1  }
0x7e: {  	[tilespmem:v7+s14+$0x0] =	vst.idx.add.f32.msk $0xffff, v1  }
0x7f: {  	[tilespmem:v8+s14+$0x0] =	vst.idx.add.f32.msk $0xffff, v1  }
0x80: {  	[tilespmem:v9+s14+$0x0] =	vst.idx.add.f32.msk $0xffff, v1  }
0x81: {  	_ =	sdelay $0x3  }
0x82: {  	[tilespmem:v2+s14+$0x0] =	vst.idx.add.f32.msk $0xffff, v1  }
0x83: {  	v3 =	vld [tilespmem:s21+$0xFFFFFF90]  }
0x84: {  	v4 =	vld [tilespmem:s21+$0x0]  }
0x85: {  	v5 =	vld [tilespmem:s21+$0xFFFFFFF0]  }
0x86: {  	v6 =	vld [tilespmem:s21+$0xFFFFFFE0]  }
0x87: {  	v7 =	vld [tilespmem:s21+$0xFFFFFFD0]  }
0x88: {  	v8 =	vld [tilespmem:s21+$0xFFFFFFC0]  }
0x89: {  	v9 =	vld [tilespmem:s21+$0xFFFFFFB0]  }
0x8a: {  	v2 =	vld [tilespmem:s21+$0xFFFFFFA0]  }
0x8b: {  	[tilespmem:v3+s14+$0x0] =	vst.idx.add.f32.msk $0xffff, v1  }
0x8c: {  	[tilespmem:v4+s14+$0x0] =	vst.idx.add.f32.msk $0xffff, v1  }
0x8d: {  	[tilespmem:v5+s14+$0x0] =	vst.idx.add.f32.msk $0xffff, v1  }
0x8e: {  	[tilespmem:v6+s14+$0x0] =	vst.idx.add.f32.msk $0xffff, v1  }
0x8f: {  	[tilespmem:v7+s14+$0x0] =	vst.idx.add.f32.msk $0xffff, v1  }
0x90: {  	[tilespmem:v8+s14+$0x0] =	vst.idx.add.f32.msk $0xffff, v1  }
0x91: {  	s20 =	simm.s32 $0x0;
	[tilespmem:v9+s14+$0x0] =	vst.idx.add.f32.msk $0xffff, v1  }
.LBB2_11:
0x92: {  	s20 =	sadd.s32 $0x8, s20;
	[tilespmem:v2+s14+$0x0] =	vst.idx.add.f32.msk $0xffff, v1;
	s21 =	sadd.s32 $0x200, s21  }
0x93: {  	v3 =	vld [tilespmem:s21+$0xFFFFFF90];
	p0 =	slt.u32 s20, $0xF8  }
0x94: {  	v4 =	vld [tilespmem:s21+$0x0]  }
0x95: {  	v5 =	vld [tilespmem:s21+$0xFFFFFFF0]  }
0x96: {  	v6 =	vld [tilespmem:s21+$0xFFFFFFE0]  }
0x97: {  	v7 =	vld [tilespmem:s21+$0xFFFFFFD0]  }
0x98: {  	v8 =	vld [tilespmem:s21+$0xFFFFFFC0]  }
0x99: {  	v9 =	vld [tilespmem:s21+$0xFFFFFFB0]  }
0x9a: {  	v2 =	vld [tilespmem:s21+$0xFFFFFFA0]  }
0x9b: {  	[tilespmem:v3+s14+$0x0] =	vst.idx.add.f32.msk $0xffff, v1  }
0x9c: {  	[tilespmem:v4+s14+$0x0] =	vst.idx.add.f32.msk $0xffff, v1  }
.Ltmp4:
0x9d: {  	[tilespmem:v5+s14+$0x0] =	vst.idx.add.f32.msk $0xffff, v1;
	(pc) =	sbr.rel @p0 .LBB2_11-.Ltmp4, $4  }
0x9e: {  	[tilespmem:v6+s14+$0x0] =	vst.idx.add.f32.msk $0xffff, v1  }
0x9f: {  	[tilespmem:v7+s14+$0x0] =	vst.idx.add.f32.msk $0xffff, v1  }
0xa0: {  	[tilespmem:v8+s14+$0x0] =	vst.idx.add.f32.msk $0xffff, v1  }
0xa1: {  	[tilespmem:v9+s14+$0x0] =	vst.idx.add.f32.msk $0xffff, v1  }
0xa2: {  	_ = 	snop  }
0xa3: {  	s20 =	sshll.u32 s19, $0xC  }
0xa4: {  	s20 =	sadd.s32 s20, s7  }
0xa5: {  	s20 =	sand.u32 $0x1FFFF000, s20  }
0xa6: {  	[tilespmem:v2+s14+$0x0] =	vst.idx.add.f32.msk $0xffff, v1;
	s21 =	sadd.s32 s1, s20  }
0xa7: {  	[tilespmem:s3], [sflag:$0x1] =	stream.strided.gather [hbm4b:s21+s10], $0x4000, s11, s10, $0x38;
	[tilespmem:$0xA000] =	vst v63  }
0xa8: {  	_ =	swait.ge [sflag:s15], $0x4000  }
0xa9: {  	[sflag:s15] =	ssyncset.done $0x0  }
0xaa: {  	s21 =	simm.s32 $0x4070;
	[sflag:s15] =	ssyncadd.s32 $0xFFFFC000  }
0xab: {  	v3 =	vld [tilespmem:s21+$0xFFFFFF90]  }
0xac: {  	v4 =	vld [tilespmem:s21+$0x0]  }
0xad: {  	v5 =	vld [tilespmem:s21+$0xFFFFFFF0]  }
0xae: {  	v6 =	vld [tilespmem:s21+$0xFFFFFFE0]  }
0xaf: {  	v7 =	vld [tilespmem:s21+$0xFFFFFFD0]  }
0xb0: {  	v8 =	vld [tilespmem:s21+$0xFFFFFFC0]  }
0xb1: {  	v9 =	vld [tilespmem:s21+$0xFFFFFFB0]  }
0xb2: {  	v2 =	vld [tilespmem:s21+$0xFFFFFFA0]  }
0xb3: {  	[tilespmem:v3+s14+$0x0] =	vst.idx.add.f32.msk $0xffff, v1  }
0xb4: {  	[tilespmem:v4+s14+$0x0] =	vst.idx.add.f32.msk $0xffff, v1  }
0xb5: {  	[tilespmem:v5+s14+$0x0] =	vst.idx.add.f32.msk $0xffff, v1  }
0xb6: {  	[tilespmem:v6+s14+$0x0] =	vst.idx.add.f32.msk $0xffff, v1  }
0xb7: {  	[tilespmem:v7+s14+$0x0] =	vst.idx.add.f32.msk $0xffff, v1  }
0xb8: {  	[tilespmem:v8+s14+$0x0] =	vst.idx.add.f32.msk $0xffff, v1  }
0xb9: {  	s23 =	simm.s32 $0x0;
	[tilespmem:v9+s14+$0x0] =	vst.idx.add.f32.msk $0xffff, v1  }
.LBB2_13:
0xba: {  	s23 =	sadd.s32 $0x8, s23;
	[tilespmem:v2+s14+$0x0] =	vst.idx.add.f32.msk $0xffff, v1;
	s21 =	sadd.s32 $0x200, s21;
	s22 =	simm.s32 $0x40F0  }
0xbb: {  	v3 =	vld [tilespmem:s21+$0xFFFFFF90];
	p0 =	slt.u32 s23, $0xF8  }
0xbc: {  	v4 =	vld [tilespmem:s21+$0x0]  }
0xbd: {  	v5 =	vld [tilespmem:s21+$0xFFFFFFF0]  }
0xbe: {  	v6 =	vld [tilespmem:s21+$0xFFFFFFE0]  }
0xbf: {  	v7 =	vld [tilespmem:s21+$0xFFFFFFD0]  }
0xc0: {  	v8 =	vld [tilespmem:s21+$0xFFFFFFC0]  }
0xc1: {  	v9 =	vld [tilespmem:s21+$0xFFFFFFB0]  }
0xc2: {  	v2 =	vld [tilespmem:s21+$0xFFFFFFA0]  }
0xc3: {  	[tilespmem:v3+s14+$0x0] =	vst.idx.add.f32.msk $0xffff, v1  }
0xc4: {  	[tilespmem:v4+s14+$0x0] =	vst.idx.add.f32.msk $0xffff, v1  }
.Ltmp5:
0xc5: {  	[tilespmem:v5+s14+$0x0] =	vst.idx.add.f32.msk $0xffff, v1;
	(pc) =	sbr.rel @p0 .LBB2_13-.Ltmp5, $4  }
0xc6: {  	[tilespmem:v6+s14+$0x0] =	vst.idx.add.f32.msk $0xffff, v1  }
0xc7: {  	[tilespmem:v7+s14+$0x0] =	vst.idx.add.f32.msk $0xffff, v1  }
0xc8: {  	[tilespmem:v8+s14+$0x0] =	vst.idx.add.f32.msk $0xffff, v1  }
0xc9: {  	[tilespmem:v9+s14+$0x0] =	vst.idx.add.f32.msk $0xffff, v1  }
0xca: {  	_ =	sdelay $0x3  }
0xcb: {  	[tilespmem:v2+s14+$0x0] =	vst.idx.add.f32.msk $0xffff, v1  }
0xcc: {  	v3 =	vld [tilespmem:s22+$0xFFFFFF90]  }
0xcd: {  	v4 =	vld [tilespmem:s22+$0x0]  }
0xce: {  	v5 =	vld [tilespmem:s22+$0xFFFFFFF0]  }
0xcf: {  	v6 =	vld [tilespmem:s22+$0xFFFFFFE0]  }
0xd0: {  	v7 =	vld [tilespmem:s22+$0xFFFFFFD0]  }
0xd1: {  	v8 =	vld [tilespmem:s22+$0xFFFFFFC0]  }
0xd2: {  	v9 =	vld [tilespmem:s22+$0xFFFFFFB0]  }
0xd3: {  	v2 =	vld [tilespmem:s22+$0xFFFFFFA0]  }
0xd4: {  	[tilespmem:v3+s14+$0x0] =	vst.idx.add.f32.msk $0xffff, v1  }
0xd5: {  	[tilespmem:v4+s14+$0x0] =	vst.idx.add.f32.msk $0xffff, v1  }
0xd6: {  	[tilespmem:v5+s14+$0x0] =	vst.idx.add.f32.msk $0xffff, v1  }
0xd7: {  	[tilespmem:v6+s14+$0x0] =	vst.idx.add.f32.msk $0xffff, v1  }
0xd8: {  	[tilespmem:v7+s14+$0x0] =	vst.idx.add.f32.msk $0xffff, v1  }
0xd9: {  	[tilespmem:v8+s14+$0x0] =	vst.idx.add.f32.msk $0xffff, v1  }
0xda: {  	s23 =	simm.s32 $0x0;
	s21 =	simm.s32 $0x4170;
	[tilespmem:v9+s14+$0x0] =	vst.idx.add.f32.msk $0xffff, v1  }
.LBB2_15:
0xdb: {  	s23 =	sadd.s32 $0x8, s23;
	[tilespmem:v2+s14+$0x0] =	vst.idx.add.f32.msk $0xffff, v1;
	s22 =	sadd.s32 $0x200, s22  }
0xdc: {  	v3 =	vld [tilespmem:s22+$0xFFFFFF90];
	p0 =	slt.u32 s23, $0xF8  }
0xdd: {  	v4 =	vld [tilespmem:s22+$0x0]  }
0xde: {  	v5 =	vld [tilespmem:s22+$0xFFFFFFF0]  }
0xdf: {  	v6 =	vld [tilespmem:s22+$0xFFFFFFE0]  }
0xe0: {  	v7 =	vld [tilespmem:s22+$0xFFFFFFD0]  }
0xe1: {  	v8 =	vld [tilespmem:s22+$0xFFFFFFC0]  }
0xe2: {  	v9 =	vld [tilespmem:s22+$0xFFFFFFB0]  }
0xe3: {  	v2 =	vld [tilespmem:s22+$0xFFFFFFA0]  }
0xe4: {  	[tilespmem:v3+s14+$0x0] =	vst.idx.add.f32.msk $0xffff, v1  }
0xe5: {  	[tilespmem:v4+s14+$0x0] =	vst.idx.add.f32.msk $0xffff, v1  }
.Ltmp6:
0xe6: {  	[tilespmem:v5+s14+$0x0] =	vst.idx.add.f32.msk $0xffff, v1;
	(pc) =	sbr.rel @p0 .LBB2_15-.Ltmp6, $4  }
0xe7: {  	[tilespmem:v6+s14+$0x0] =	vst.idx.add.f32.msk $0xffff, v1  }
0xe8: {  	[tilespmem:v7+s14+$0x0] =	vst.idx.add.f32.msk $0xffff, v1  }
0xe9: {  	[tilespmem:v8+s14+$0x0] =	vst.idx.add.f32.msk $0xffff, v1  }
0xea: {  	[tilespmem:v9+s14+$0x0] =	vst.idx.add.f32.msk $0xffff, v1  }
0xeb: {  	_ =	sdelay $0x3  }
0xec: {  	[tilespmem:v2+s14+$0x0] =	vst.idx.add.f32.msk $0xffff, v1  }
0xed: {  	v3 =	vld [tilespmem:s21+$0xFFFFFF90]  }
0xee: {  	v4 =	vld [tilespmem:s21+$0x0]  }
0xef: {  	v5 =	vld [tilespmem:s21+$0xFFFFFFF0]  }
0xf0: {  	v6 =	vld [tilespmem:s21+$0xFFFFFFE0]  }
0xf1: {  	v7 =	vld [tilespmem:s21+$0xFFFFFFD0]  }
0xf2: {  	v8 =	vld [tilespmem:s21+$0xFFFFFFC0]  }
0xf3: {  	v9 =	vld [tilespmem:s21+$0xFFFFFFB0]  }
0xf4: {  	v2 =	vld [tilespmem:s21+$0xFFFFFFA0]  }
0xf5: {  	[tilespmem:v3+s14+$0x0] =	vst.idx.add.f32.msk $0xffff, v1  }
0xf6: {  	[tilespmem:v4+s14+$0x0] =	vst.idx.add.f32.msk $0xffff, v1  }
0xf7: {  	[tilespmem:v5+s14+$0x0] =	vst.idx.add.f32.msk $0xffff, v1  }
0xf8: {  	[tilespmem:v6+s14+$0x0] =	vst.idx.add.f32.msk $0xffff, v1  }
0xf9: {  	[tilespmem:v7+s14+$0x0] =	vst.idx.add.f32.msk $0xffff, v1  }
0xfa: {  	[tilespmem:v8+s14+$0x0] =	vst.idx.add.f32.msk $0xffff, v1  }
0xfb: {  	s23 =	simm.s32 $0x0;
	[tilespmem:v9+s14+$0x0] =	vst.idx.add.f32.msk $0xffff, v1  }
.LBB2_17:
0xfc: {  	s23 =	sadd.s32 $0x8, s23;
	[tilespmem:v2+s14+$0x0] =	vst.idx.add.f32.msk $0xffff, v1;
	s21 =	sadd.s32 $0x200, s21;
	s22 =	simm.s32 $0x41F0  }
0xfd: {  	v3 =	vld [tilespmem:s21+$0xFFFFFF90];
	p0 =	slt.u32 s23, $0xF8  }
0xfe: {  	v4 =	vld [tilespmem:s21+$0x0]  }
0xff: {  	v5 =	vld [tilespmem:s21+$0xFFFFFFF0]  }
0x100: {  	v6 =	vld [tilespmem:s21+$0xFFFFFFE0]  }
0x101: {  	v7 =	vld [tilespmem:s21+$0xFFFFFFD0]  }
0x102: {  	v8 =	vld [tilespmem:s21+$0xFFFFFFC0]  }
0x103: {  	v9 =	vld [tilespmem:s21+$0xFFFFFFB0]  }
0x104: {  	v2 =	vld [tilespmem:s21+$0xFFFFFFA0]  }
0x105: {  	[tilespmem:v3+s14+$0x0] =	vst.idx.add.f32.msk $0xffff, v1  }
0x106: {  	[tilespmem:v4+s14+$0x0] =	vst.idx.add.f32.msk $0xffff, v1  }
.Ltmp7:
0x107: {  	[tilespmem:v5+s14+$0x0] =	vst.idx.add.f32.msk $0xffff, v1;
	(pc) =	sbr.rel @p0 .LBB2_17-.Ltmp7, $4  }
0x108: {  	[tilespmem:v6+s14+$0x0] =	vst.idx.add.f32.msk $0xffff, v1  }
0x109: {  	[tilespmem:v7+s14+$0x0] =	vst.idx.add.f32.msk $0xffff, v1  }
0x10a: {  	[tilespmem:v8+s14+$0x0] =	vst.idx.add.f32.msk $0xffff, v1  }
0x10b: {  	[tilespmem:v9+s14+$0x0] =	vst.idx.add.f32.msk $0xffff, v1  }
0x10c: {  	_ =	sdelay $0x3  }
0x10d: {  	[tilespmem:v2+s14+$0x0] =	vst.idx.add.f32.msk $0xffff, v1  }
0x10e: {  	v3 =	vld [tilespmem:s22+$0xFFFFFF90]  }
0x10f: {  	v4 =	vld [tilespmem:s22+$0x0]  }
0x110: {  	v5 =	vld [tilespmem:s22+$0xFFFFFFF0]  }
0x111: {  	v6 =	vld [tilespmem:s22+$0xFFFFFFE0]  }
0x112: {  	v7 =	vld [tilespmem:s22+$0xFFFFFFD0]  }
0x113: {  	v8 =	vld [tilespmem:s22+$0xFFFFFFC0]  }
0x114: {  	v9 =	vld [tilespmem:s22+$0xFFFFFFB0]  }
0x115: {  	v2 =	vld [tilespmem:s22+$0xFFFFFFA0]  }
0x116: {  	[tilespmem:v3+s14+$0x0] =	vst.idx.add.f32.msk $0xffff, v1  }
0x117: {  	[tilespmem:v4+s14+$0x0] =	vst.idx.add.f32.msk $0xffff, v1  }
0x118: {  	[tilespmem:v5+s14+$0x0] =	vst.idx.add.f32.msk $0xffff, v1  }
0x119: {  	[tilespmem:v6+s14+$0x0] =	vst.idx.add.f32.msk $0xffff, v1  }
0x11a: {  	[tilespmem:v7+s14+$0x0] =	vst.idx.add.f32.msk $0xffff, v1  }
0x11b: {  	[tilespmem:v8+s14+$0x0] =	vst.idx.add.f32.msk $0xffff, v1  }
0x11c: {  	s21 =	simm.s32 $0x0;
	[tilespmem:v9+s14+$0x0] =	vst.idx.add.f32.msk $0xffff, v1  }
.LBB2_19:
0x11d: {  	s21 =	sadd.s32 $0x8, s21;
	[tilespmem:v2+s14+$0x0] =	vst.idx.add.f32.msk $0xffff, v1;
	s22 =	sadd.s32 $0x200, s22  }
0x11e: {  	v3 =	vld [tilespmem:s22+$0xFFFFFF90];
	p0 =	slt.u32 s21, $0xF8  }
0x11f: {  	v4 =	vld [tilespmem:s22+$0x0]  }
0x120: {  	v5 =	vld [tilespmem:s22+$0xFFFFFFF0]  }
0x121: {  	v6 =	vld [tilespmem:s22+$0xFFFFFFE0]  }
0x122: {  	v7 =	vld [tilespmem:s22+$0xFFFFFFD0]  }
0x123: {  	v8 =	vld [tilespmem:s22+$0xFFFFFFC0]  }
0x124: {  	v9 =	vld [tilespmem:s22+$0xFFFFFFB0]  }
0x125: {  	v2 =	vld [tilespmem:s22+$0xFFFFFFA0]  }
0x126: {  	[tilespmem:v3+s14+$0x0] =	vst.idx.add.f32.msk $0xffff, v1  }
0x127: {  	[tilespmem:v4+s14+$0x0] =	vst.idx.add.f32.msk $0xffff, v1  }
.Ltmp8:
0x128: {  	[tilespmem:v5+s14+$0x0] =	vst.idx.add.f32.msk $0xffff, v1;
	(pc) =	sbr.rel @p0 .LBB2_19-.Ltmp8, $4  }
0x129: {  	[tilespmem:v6+s14+$0x0] =	vst.idx.add.f32.msk $0xffff, v1  }
0x12a: {  	[tilespmem:v7+s14+$0x0] =	vst.idx.add.f32.msk $0xffff, v1  }
0x12b: {  	[tilespmem:v8+s14+$0x0] =	vst.idx.add.f32.msk $0xffff, v1  }
0x12c: {  	[tilespmem:v9+s14+$0x0] =	vst.idx.add.f32.msk $0xffff, v1  }
0x12d: {  	s19 =	sadd.s32 $0x1, s19  }
0x12e: {  	p0 =	sne.s32 s19, $0xF  }
.Ltmp9:
0x12f: {  	_ = 	snop;
	(pc) =	sbr.rel @p0 .LBB2_4-.Ltmp9, $3  }
0x130: {  	_ =	sdelay $0x1  }
0x131: {  	[tilespmem:v2+s14+$0x0] =	vst.idx.add.f32.msk $0xffff, v1;
	s20 =	sadd.s32 s20, s4  }
0x132: {  	[tilespmem:s12], [sflag:$0x2] =	stream.strided.gather [hbm4b:s20+s10], $0x4000, s11, s10, $0x38;
	[tilespmem:$0xA000] =	vst v63  }
0x133: {  	_ =	swait.ge [sflag:s13], $0x4000  }
0x134: {  	[sflag:s13] =	ssyncset.done $0x0  }
0x135: {  	s19 =	simm.s32 $0x40;
	[sflag:s13] =	ssyncadd.s32 $0xFFFFC000  }
0x136: {  	v3 =	vld [tilespmem:s19+$0xFFFFFFC0]  }
0x137: {  	v4 =	vld [tilespmem:s19+$0x30]  }
0x138: {  	v5 =	vld [tilespmem:s19+$0x20]  }
0x139: {  	v6 =	vld [tilespmem:s19+$0x10]  }
0x13a: {  	v7 =	vld [tilespmem:s19+$0x0]  }
0x13b: {  	v8 =	vld [tilespmem:s19+$0xFFFFFFF0]  }
0x13c: {  	v9 =	vld [tilespmem:s19+$0xFFFFFFE0]  }
0x13d: {  	v2 =	vld [tilespmem:s19+$0xFFFFFFD0]  }
0x13e: {  	[tilespmem:v3+s14+$0x0] =	vst.idx.add.f32.msk $0xffff, v1  }
0x13f: {  	[tilespmem:v4+s14+$0x0] =	vst.idx.add.f32.msk $0xffff, v1  }
0x140: {  	[tilespmem:v5+s14+$0x0] =	vst.idx.add.f32.msk $0xffff, v1  }
0x141: {  	[tilespmem:v6+s14+$0x0] =	vst.idx.add.f32.msk $0xffff, v1  }
0x142: {  	[tilespmem:v7+s14+$0x0] =	vst.idx.add.f32.msk $0xffff, v1  }
0x143: {  	[tilespmem:v8+s14+$0x0] =	vst.idx.add.f32.msk $0xffff, v1  }
0x144: {  	s20 =	simm.s32 $0x0;
	[tilespmem:v9+s14+$0x0] =	vst.idx.add.f32.msk $0xffff, v1  }
.LBB2_22:
0x145: {  	s20 =	sadd.s32 $0x8, s20;
	[tilespmem:v2+s14+$0x0] =	vst.idx.add.f32.msk $0xffff, v1;
	s19 =	sadd.s32 $0x200, s19  }
0x146: {  	v3 =	vld [tilespmem:s19+$0xFFFFFFC0];
	p0 =	slt.u32 s20, $0xF8  }
0x147: {  	v4 =	vld [tilespmem:s19+$0x30]  }
0x148: {  	v5 =	vld [tilespmem:s19+$0x20]  }
0x149: {  	v6 =	vld [tilespmem:s19+$0x10]  }
0x14a: {  	v7 =	vld [tilespmem:s19+$0x0]  }
0x14b: {  	v8 =	vld [tilespmem:s19+$0xFFFFFFF0]  }
0x14c: {  	v9 =	vld [tilespmem:s19+$0xFFFFFFE0]  }
0x14d: {  	v2 =	vld [tilespmem:s19+$0xFFFFFFD0]  }
0x14e: {  	[tilespmem:v3+s14+$0x0] =	vst.idx.add.f32.msk $0xffff, v1  }
0x14f: {  	[tilespmem:v4+s14+$0x0] =	vst.idx.add.f32.msk $0xffff, v1  }
.Ltmp10:
0x150: {  	[tilespmem:v5+s14+$0x0] =	vst.idx.add.f32.msk $0xffff, v1;
	(pc) =	sbr.rel @p0 .LBB2_22-.Ltmp10, $4  }
0x151: {  	[tilespmem:v6+s14+$0x0] =	vst.idx.add.f32.msk $0xffff, v1  }
0x152: {  	[tilespmem:v7+s14+$0x0] =	vst.idx.add.f32.msk $0xffff, v1  }
0x153: {  	[tilespmem:v8+s14+$0x0] =	vst.idx.add.f32.msk $0xffff, v1  }
0x154: {  	[tilespmem:v9+s14+$0x0] =	vst.idx.add.f32.msk $0xffff, v1  }
0x155: {  	_ =	sdelay $0x3  }
0x156: {  	[tilespmem:v2+s14+$0x0] =	vst.idx.add.f32.msk $0xffff, v1;
	s20 =	simm.s32 $0xF0  }
0x157: {  	v3 =	vld [tilespmem:s20+$0xFFFFFF90]  }
0x158: {  	v4 =	vld [tilespmem:s20+$0x0]  }
0x159: {  	v5 =	vld [tilespmem:s20+$0xFFFFFFF0]  }
0x15a: {  	v6 =	vld [tilespmem:s20+$0xFFFFFFE0]  }
0x15b: {  	v7 =	vld [tilespmem:s20+$0xFFFFFFD0]  }
0x15c: {  	v8 =	vld [tilespmem:s20+$0xFFFFFFC0]  }
0x15d: {  	v9 =	vld [tilespmem:s20+$0xFFFFFFB0]  }
0x15e: {  	v2 =	vld [tilespmem:s20+$0xFFFFFFA0]  }
0x15f: {  	[tilespmem:v3+s14+$0x0] =	vst.idx.add.f32.msk $0xffff, v1  }
0x160: {  	[tilespmem:v4+s14+$0x0] =	vst.idx.add.f32.msk $0xffff, v1  }
0x161: {  	[tilespmem:v5+s14+$0x0] =	vst.idx.add.f32.msk $0xffff, v1  }
0x162: {  	[tilespmem:v6+s14+$0x0] =	vst.idx.add.f32.msk $0xffff, v1  }
0x163: {  	[tilespmem:v7+s14+$0x0] =	vst.idx.add.f32.msk $0xffff, v1  }
0x164: {  	[tilespmem:v8+s14+$0x0] =	vst.idx.add.f32.msk $0xffff, v1  }
0x165: {  	s21 =	simm.s32 $0x0;
	[tilespmem:v9+s14+$0x0] =	vst.idx.add.f32.msk $0xffff, v1  }
.LBB2_24:
0x166: {  	s21 =	sadd.s32 $0x8, s21;
	[tilespmem:v2+s14+$0x0] =	vst.idx.add.f32.msk $0xffff, v1;
	s20 =	sadd.s32 $0x200, s20  }
0x167: {  	v3 =	vld [tilespmem:s20+$0xFFFFFF90];
	p0 =	slt.u32 s21, $0xF8  }
0x168: {  	v4 =	vld [tilespmem:s20+$0x0]  }
0x169: {  	v5 =	vld [tilespmem:s20+$0xFFFFFFF0]  }
0x16a: {  	v6 =	vld [tilespmem:s20+$0xFFFFFFE0]  }
0x16b: {  	v7 =	vld [tilespmem:s20+$0xFFFFFFD0]  }
0x16c: {  	v8 =	vld [tilespmem:s20+$0xFFFFFFC0]  }
0x16d: {  	v9 =	vld [tilespmem:s20+$0xFFFFFFB0]  }
0x16e: {  	v2 =	vld [tilespmem:s20+$0xFFFFFFA0]  }
0x16f: {  	[tilespmem:v3+s14+$0x0] =	vst.idx.add.f32.msk $0xffff, v1  }
0x170: {  	[tilespmem:v4+s14+$0x0] =	vst.idx.add.f32.msk $0xffff, v1  }
.Ltmp11:
0x171: {  	[tilespmem:v5+s14+$0x0] =	vst.idx.add.f32.msk $0xffff, v1;
	(pc) =	sbr.rel @p0 .LBB2_24-.Ltmp11, $4  }
0x172: {  	[tilespmem:v6+s14+$0x0] =	vst.idx.add.f32.msk $0xffff, v1  }
0x173: {  	[tilespmem:v7+s14+$0x0] =	vst.idx.add.f32.msk $0xffff, v1  }
0x174: {  	[tilespmem:v8+s14+$0x0] =	vst.idx.add.f32.msk $0xffff, v1  }
0x175: {  	s19 =	simm.s32 $0x170;
	[tilespmem:v9+s14+$0x0] =	vst.idx.add.f32.msk $0xffff, v1  }
0x176: {  	_ =	sdelay $0x3  }
0x177: {  	[tilespmem:v2+s14+$0x0] =	vst.idx.add.f32.msk $0xffff, v1  }
0x178: {  	v3 =	vld [tilespmem:s19+$0xFFFFFF90]  }
0x179: {  	v4 =	vld [tilespmem:s19+$0x0]  }
0x17a: {  	v5 =	vld [tilespmem:s19+$0xFFFFFFF0]  }
0x17b: {  	v6 =	vld [tilespmem:s19+$0xFFFFFFE0]  }
0x17c: {  	v7 =	vld [tilespmem:s19+$0xFFFFFFD0]  }
0x17d: {  	v8 =	vld [tilespmem:s19+$0xFFFFFFC0]  }
0x17e: {  	v9 =	vld [tilespmem:s19+$0xFFFFFFB0]  }
0x17f: {  	v2 =	vld [tilespmem:s19+$0xFFFFFFA0]  }
0x180: {  	[tilespmem:v3+s14+$0x0] =	vst.idx.add.f32.msk $0xffff, v1  }
0x181: {  	[tilespmem:v4+s14+$0x0] =	vst.idx.add.f32.msk $0xffff, v1  }
0x182: {  	[tilespmem:v5+s14+$0x0] =	vst.idx.add.f32.msk $0xffff, v1  }
0x183: {  	[tilespmem:v6+s14+$0x0] =	vst.idx.add.f32.msk $0xffff, v1  }
0x184: {  	[tilespmem:v7+s14+$0x0] =	vst.idx.add.f32.msk $0xffff, v1  }
0x185: {  	[tilespmem:v8+s14+$0x0] =	vst.idx.add.f32.msk $0xffff, v1  }
0x186: {  	s20 =	simm.s32 $0x0;
	[tilespmem:v9+s14+$0x0] =	vst.idx.add.f32.msk $0xffff, v1  }
.LBB2_26:
0x187: {  	s20 =	sadd.s32 $0x8, s20;
	[tilespmem:v2+s14+$0x0] =	vst.idx.add.f32.msk $0xffff, v1;
	s19 =	sadd.s32 $0x200, s19  }
0x188: {  	v3 =	vld [tilespmem:s19+$0xFFFFFF90];
	p0 =	slt.u32 s20, $0xF8  }
0x189: {  	v4 =	vld [tilespmem:s19+$0x0]  }
0x18a: {  	v5 =	vld [tilespmem:s19+$0xFFFFFFF0]  }
0x18b: {  	v6 =	vld [tilespmem:s19+$0xFFFFFFE0]  }
0x18c: {  	v7 =	vld [tilespmem:s19+$0xFFFFFFD0]  }
0x18d: {  	v8 =	vld [tilespmem:s19+$0xFFFFFFC0]  }
0x18e: {  	v9 =	vld [tilespmem:s19+$0xFFFFFFB0]  }
0x18f: {  	v2 =	vld [tilespmem:s19+$0xFFFFFFA0]  }
0x190: {  	[tilespmem:v3+s14+$0x0] =	vst.idx.add.f32.msk $0xffff, v1  }
0x191: {  	[tilespmem:v4+s14+$0x0] =	vst.idx.add.f32.msk $0xffff, v1  }
.Ltmp12:
0x192: {  	[tilespmem:v5+s14+$0x0] =	vst.idx.add.f32.msk $0xffff, v1;
	(pc) =	sbr.rel @p0 .LBB2_26-.Ltmp12, $4  }
0x193: {  	[tilespmem:v6+s14+$0x0] =	vst.idx.add.f32.msk $0xffff, v1  }
0x194: {  	[tilespmem:v7+s14+$0x0] =	vst.idx.add.f32.msk $0xffff, v1  }
0x195: {  	[tilespmem:v8+s14+$0x0] =	vst.idx.add.f32.msk $0xffff, v1  }
0x196: {  	[tilespmem:v9+s14+$0x0] =	vst.idx.add.f32.msk $0xffff, v1  }
0x197: {  	_ =	sdelay $0x3  }
0x198: {  	[tilespmem:v2+s14+$0x0] =	vst.idx.add.f32.msk $0xffff, v1;
	s19 =	simm.s32 $0x1F0  }
0x199: {  	v3 =	vld [tilespmem:s19+$0xFFFFFF90]  }
0x19a: {  	v4 =	vld [tilespmem:s19+$0x0]  }
0x19b: {  	v5 =	vld [tilespmem:s19+$0xFFFFFFF0]  }
0x19c: {  	v6 =	vld [tilespmem:s19+$0xFFFFFFE0]  }
0x19d: {  	v7 =	vld [tilespmem:s19+$0xFFFFFFD0]  }
0x19e: {  	v8 =	vld [tilespmem:s19+$0xFFFFFFC0]  }
0x19f: {  	v9 =	vld [tilespmem:s19+$0xFFFFFFB0]  }
0x1a0: {  	v2 =	vld [tilespmem:s19+$0xFFFFFFA0]  }
0x1a1: {  	[tilespmem:v3+s14+$0x0] =	vst.idx.add.f32.msk $0xffff, v1  }
0x1a2: {  	[tilespmem:v4+s14+$0x0] =	vst.idx.add.f32.msk $0xffff, v1  }
0x1a3: {  	[tilespmem:v5+s14+$0x0] =	vst.idx.add.f32.msk $0xffff, v1  }
0x1a4: {  	[tilespmem:v6+s14+$0x0] =	vst.idx.add.f32.msk $0xffff, v1  }
0x1a5: {  	[tilespmem:v7+s14+$0x0] =	vst.idx.add.f32.msk $0xffff, v1  }
0x1a6: {  	[tilespmem:v8+s14+$0x0] =	vst.idx.add.f32.msk $0xffff, v1  }
0x1a7: {  	s20 =	simm.s32 $0x0;
	[tilespmem:v9+s14+$0x0] =	vst.idx.add.f32.msk $0xffff, v1  }
.LBB2_28:
0x1a8: {  	s20 =	sadd.s32 $0x8, s20;
	[tilespmem:v2+s14+$0x0] =	vst.idx.add.f32.msk $0xffff, v1;
	s19 =	sadd.s32 $0x200, s19  }
0x1a9: {  	v3 =	vld [tilespmem:s19+$0xFFFFFF90];
	p0 =	slt.u32 s20, $0xF8  }
0x1aa: {  	v4 =	vld [tilespmem:s19+$0x0]  }
0x1ab: {  	v5 =	vld [tilespmem:s19+$0xFFFFFFF0]  }
0x1ac: {  	v6 =	vld [tilespmem:s19+$0xFFFFFFE0]  }
0x1ad: {  	v7 =	vld [tilespmem:s19+$0xFFFFFFD0]  }
0x1ae: {  	v8 =	vld [tilespmem:s19+$0xFFFFFFC0]  }
0x1af: {  	v9 =	vld [tilespmem:s19+$0xFFFFFFB0]  }
0x1b0: {  	v2 =	vld [tilespmem:s19+$0xFFFFFFA0]  }
0x1b1: {  	[tilespmem:v3+s14+$0x0] =	vst.idx.add.f32.msk $0xffff, v1  }
0x1b2: {  	[tilespmem:v4+s14+$0x0] =	vst.idx.add.f32.msk $0xffff, v1  }
.Ltmp13:
0x1b3: {  	[tilespmem:v5+s14+$0x0] =	vst.idx.add.f32.msk $0xffff, v1;
	(pc) =	sbr.rel @p0 .LBB2_28-.Ltmp13, $4  }
0x1b4: {  	[tilespmem:v6+s14+$0x0] =	vst.idx.add.f32.msk $0xffff, v1  }
0x1b5: {  	[tilespmem:v7+s14+$0x0] =	vst.idx.add.f32.msk $0xffff, v1  }
0x1b6: {  	[tilespmem:v8+s14+$0x0] =	vst.idx.add.f32.msk $0xffff, v1  }
0x1b7: {  	[tilespmem:v9+s14+$0x0] =	vst.idx.add.f32.msk $0xffff, v1  }
0x1b8: {  	_ =	sdelay $0x3  }
0x1b9: {  	[tilespmem:v2+s14+$0x0] =	vst.idx.add.f32.msk $0xffff, v1  }
0x1ba: {  	_ =	swait.ge [sflag:s15], $0x4000  }
0x1bb: {  	[sflag:s15] =	ssyncset.done $0x0  }
0x1bc: {  	s19 =	simm.s32 $0x4070;
	[sflag:s15] =	ssyncadd.s32 $0xFFFFC000  }
0x1bd: {  	v3 =	vld [tilespmem:s19+$0xFFFFFF90]  }
0x1be: {  	v4 =	vld [tilespmem:s19+$0x0]  }
0x1bf: {  	v5 =	vld [tilespmem:s19+$0xFFFFFFF0]  }
0x1c0: {  	v6 =	vld [tilespmem:s19+$0xFFFFFFE0]  }
0x1c1: {  	v7 =	vld [tilespmem:s19+$0xFFFFFFD0]  }
0x1c2: {  	v8 =	vld [tilespmem:s19+$0xFFFFFFC0]  }
0x1c3: {  	v9 =	vld [tilespmem:s19+$0xFFFFFFB0]  }
0x1c4: {  	v2 =	vld [tilespmem:s19+$0xFFFFFFA0]  }
0x1c5: {  	[tilespmem:v3+s14+$0x0] =	vst.idx.add.f32.msk $0xffff, v1  }
0x1c6: {  	[tilespmem:v4+s14+$0x0] =	vst.idx.add.f32.msk $0xffff, v1  }
0x1c7: {  	[tilespmem:v5+s14+$0x0] =	vst.idx.add.f32.msk $0xffff, v1  }
0x1c8: {  	[tilespmem:v6+s14+$0x0] =	vst.idx.add.f32.msk $0xffff, v1  }
0x1c9: {  	[tilespmem:v7+s14+$0x0] =	vst.idx.add.f32.msk $0xffff, v1  }
0x1ca: {  	[tilespmem:v8+s14+$0x0] =	vst.idx.add.f32.msk $0xffff, v1  }
0x1cb: {  	s20 =	simm.s32 $0x0;
	[tilespmem:v9+s14+$0x0] =	vst.idx.add.f32.msk $0xffff, v1  }
.LBB2_30:
0x1cc: {  	s20 =	sadd.s32 $0x8, s20;
	[tilespmem:v2+s14+$0x0] =	vst.idx.add.f32.msk $0xffff, v1;
	s19 =	sadd.s32 $0x200, s19  }
0x1cd: {  	v3 =	vld [tilespmem:s19+$0xFFFFFF90];
	p0 =	slt.u32 s20, $0xF8  }
0x1ce: {  	v4 =	vld [tilespmem:s19+$0x0]  }
0x1cf: {  	v5 =	vld [tilespmem:s19+$0xFFFFFFF0]  }
0x1d0: {  	v6 =	vld [tilespmem:s19+$0xFFFFFFE0]  }
0x1d1: {  	v7 =	vld [tilespmem:s19+$0xFFFFFFD0]  }
0x1d2: {  	v8 =	vld [tilespmem:s19+$0xFFFFFFC0]  }
0x1d3: {  	v9 =	vld [tilespmem:s19+$0xFFFFFFB0]  }
0x1d4: {  	v2 =	vld [tilespmem:s19+$0xFFFFFFA0]  }
0x1d5: {  	[tilespmem:v3+s14+$0x0] =	vst.idx.add.f32.msk $0xffff, v1  }
0x1d6: {  	[tilespmem:v4+s14+$0x0] =	vst.idx.add.f32.msk $0xffff, v1  }
.Ltmp14:
0x1d7: {  	[tilespmem:v5+s14+$0x0] =	vst.idx.add.f32.msk $0xffff, v1;
	(pc) =	sbr.rel @p0 .LBB2_30-.Ltmp14, $4  }
0x1d8: {  	[tilespmem:v6+s14+$0x0] =	vst.idx.add.f32.msk $0xffff, v1  }
0x1d9: {  	[tilespmem:v7+s14+$0x0] =	vst.idx.add.f32.msk $0xffff, v1  }
0x1da: {  	[tilespmem:v8+s14+$0x0] =	vst.idx.add.f32.msk $0xffff, v1  }
0x1db: {  	[tilespmem:v9+s14+$0x0] =	vst.idx.add.f32.msk $0xffff, v1  }
0x1dc: {  	_ =	sdelay $0x3  }
0x1dd: {  	[tilespmem:v2+s14+$0x0] =	vst.idx.add.f32.msk $0xffff, v1;
	s20 =	simm.s32 $0x40F0  }
0x1de: {  	v3 =	vld [tilespmem:s20+$0xFFFFFF90]  }
0x1df: {  	v4 =	vld [tilespmem:s20+$0x0]  }
0x1e0: {  	v5 =	vld [tilespmem:s20+$0xFFFFFFF0]  }
0x1e1: {  	v6 =	vld [tilespmem:s20+$0xFFFFFFE0]  }
0x1e2: {  	v7 =	vld [tilespmem:s20+$0xFFFFFFD0]  }
0x1e3: {  	v8 =	vld [tilespmem:s20+$0xFFFFFFC0]  }
0x1e4: {  	v9 =	vld [tilespmem:s20+$0xFFFFFFB0]  }
0x1e5: {  	v2 =	vld [tilespmem:s20+$0xFFFFFFA0]  }
0x1e6: {  	[tilespmem:v3+s14+$0x0] =	vst.idx.add.f32.msk $0xffff, v1  }
0x1e7: {  	[tilespmem:v4+s14+$0x0] =	vst.idx.add.f32.msk $0xffff, v1  }
0x1e8: {  	[tilespmem:v5+s14+$0x0] =	vst.idx.add.f32.msk $0xffff, v1  }
0x1e9: {  	[tilespmem:v6+s14+$0x0] =	vst.idx.add.f32.msk $0xffff, v1  }
0x1ea: {  	[tilespmem:v7+s14+$0x0] =	vst.idx.add.f32.msk $0xffff, v1  }
0x1eb: {  	[tilespmem:v8+s14+$0x0] =	vst.idx.add.f32.msk $0xffff, v1  }
0x1ec: {  	s21 =	simm.s32 $0x0;
	[tilespmem:v9+s14+$0x0] =	vst.idx.add.f32.msk $0xffff, v1  }
.LBB2_32:
0x1ed: {  	s21 =	sadd.s32 $0x8, s21;
	[tilespmem:v2+s14+$0x0] =	vst.idx.add.f32.msk $0xffff, v1;
	s20 =	sadd.s32 $0x200, s20  }
0x1ee: {  	v3 =	vld [tilespmem:s20+$0xFFFFFF90];
	p0 =	slt.u32 s21, $0xF8  }
0x1ef: {  	v4 =	vld [tilespmem:s20+$0x0]  }
0x1f0: {  	v5 =	vld [tilespmem:s20+$0xFFFFFFF0]  }
0x1f1: {  	v6 =	vld [tilespmem:s20+$0xFFFFFFE0]  }
0x1f2: {  	v7 =	vld [tilespmem:s20+$0xFFFFFFD0]  }
0x1f3: {  	v8 =	vld [tilespmem:s20+$0xFFFFFFC0]  }
0x1f4: {  	v9 =	vld [tilespmem:s20+$0xFFFFFFB0]  }
0x1f5: {  	v2 =	vld [tilespmem:s20+$0xFFFFFFA0]  }
0x1f6: {  	[tilespmem:v3+s14+$0x0] =	vst.idx.add.f32.msk $0xffff, v1  }
0x1f7: {  	[tilespmem:v4+s14+$0x0] =	vst.idx.add.f32.msk $0xffff, v1  }
.Ltmp15:
0x1f8: {  	[tilespmem:v5+s14+$0x0] =	vst.idx.add.f32.msk $0xffff, v1;
	(pc) =	sbr.rel @p0 .LBB2_32-.Ltmp15, $4  }
0x1f9: {  	[tilespmem:v6+s14+$0x0] =	vst.idx.add.f32.msk $0xffff, v1  }
0x1fa: {  	[tilespmem:v7+s14+$0x0] =	vst.idx.add.f32.msk $0xffff, v1  }
0x1fb: {  	[tilespmem:v8+s14+$0x0] =	vst.idx.add.f32.msk $0xffff, v1  }
0x1fc: {  	s19 =	simm.s32 $0x4170;
	[tilespmem:v9+s14+$0x0] =	vst.idx.add.f32.msk $0xffff, v1  }
0x1fd: {  	_ =	sdelay $0x3  }
0x1fe: {  	[tilespmem:v2+s14+$0x0] =	vst.idx.add.f32.msk $0xffff, v1  }
0x1ff: {  	v3 =	vld [tilespmem:s19+$0xFFFFFF90]  }
0x200: {  	v4 =	vld [tilespmem:s19+$0x0]  }
0x201: {  	v5 =	vld [tilespmem:s19+$0xFFFFFFF0]  }
0x202: {  	v6 =	vld [tilespmem:s19+$0xFFFFFFE0]  }
0x203: {  	v7 =	vld [tilespmem:s19+$0xFFFFFFD0]  }
0x204: {  	v8 =	vld [tilespmem:s19+$0xFFFFFFC0]  }
0x205: {  	v9 =	vld [tilespmem:s19+$0xFFFFFFB0]  }
0x206: {  	v2 =	vld [tilespmem:s19+$0xFFFFFFA0]  }
0x207: {  	[tilespmem:v3+s14+$0x0] =	vst.idx.add.f32.msk $0xffff, v1  }
0x208: {  	[tilespmem:v4+s14+$0x0] =	vst.idx.add.f32.msk $0xffff, v1  }
0x209: {  	[tilespmem:v5+s14+$0x0] =	vst.idx.add.f32.msk $0xffff, v1  }
0x20a: {  	[tilespmem:v6+s14+$0x0] =	vst.idx.add.f32.msk $0xffff, v1  }
0x20b: {  	[tilespmem:v7+s14+$0x0] =	vst.idx.add.f32.msk $0xffff, v1  }
0x20c: {  	[tilespmem:v8+s14+$0x0] =	vst.idx.add.f32.msk $0xffff, v1  }
0x20d: {  	s20 =	simm.s32 $0x0;
	[tilespmem:v9+s14+$0x0] =	vst.idx.add.f32.msk $0xffff, v1  }
.LBB2_34:
0x20e: {  	s20 =	sadd.s32 $0x8, s20;
	[tilespmem:v2+s14+$0x0] =	vst.idx.add.f32.msk $0xffff, v1;
	s19 =	sadd.s32 $0x200, s19  }
0x20f: {  	v3 =	vld [tilespmem:s19+$0xFFFFFF90];
	p0 =	slt.u32 s20, $0xF8  }
0x210: {  	v4 =	vld [tilespmem:s19+$0x0]  }
0x211: {  	v5 =	vld [tilespmem:s19+$0xFFFFFFF0]  }
0x212: {  	v6 =	vld [tilespmem:s19+$0xFFFFFFE0]  }
0x213: {  	v7 =	vld [tilespmem:s19+$0xFFFFFFD0]  }
0x214: {  	v8 =	vld [tilespmem:s19+$0xFFFFFFC0]  }
0x215: {  	v9 =	vld [tilespmem:s19+$0xFFFFFFB0]  }
0x216: {  	v2 =	vld [tilespmem:s19+$0xFFFFFFA0]  }
0x217: {  	[tilespmem:v3+s14+$0x0] =	vst.idx.add.f32.msk $0xffff, v1  }
0x218: {  	[tilespmem:v4+s14+$0x0] =	vst.idx.add.f32.msk $0xffff, v1  }
.Ltmp16:
0x219: {  	[tilespmem:v5+s14+$0x0] =	vst.idx.add.f32.msk $0xffff, v1;
	(pc) =	sbr.rel @p0 .LBB2_34-.Ltmp16, $4  }
0x21a: {  	[tilespmem:v6+s14+$0x0] =	vst.idx.add.f32.msk $0xffff, v1  }
0x21b: {  	[tilespmem:v7+s14+$0x0] =	vst.idx.add.f32.msk $0xffff, v1  }
0x21c: {  	[tilespmem:v8+s14+$0x0] =	vst.idx.add.f32.msk $0xffff, v1  }
0x21d: {  	[tilespmem:v9+s14+$0x0] =	vst.idx.add.f32.msk $0xffff, v1  }
0x21e: {  	_ =	sdelay $0x3  }
0x21f: {  	[tilespmem:v2+s14+$0x0] =	vst.idx.add.f32.msk $0xffff, v1;
	s19 =	simm.s32 $0x41F0  }
0x220: {  	v3 =	vld [tilespmem:s19+$0xFFFFFF90]  }
0x221: {  	v4 =	vld [tilespmem:s19+$0x0]  }
0x222: {  	v5 =	vld [tilespmem:s19+$0xFFFFFFF0]  }
0x223: {  	v6 =	vld [tilespmem:s19+$0xFFFFFFE0]  }
0x224: {  	v7 =	vld [tilespmem:s19+$0xFFFFFFD0]  }
0x225: {  	v8 =	vld [tilespmem:s19+$0xFFFFFFC0]  }
0x226: {  	v9 =	vld [tilespmem:s19+$0xFFFFFFB0]  }
0x227: {  	v2 =	vld [tilespmem:s19+$0xFFFFFFA0]  }
0x228: {  	[tilespmem:v3+s14+$0x0] =	vst.idx.add.f32.msk $0xffff, v1  }
0x229: {  	[tilespmem:v4+s14+$0x0] =	vst.idx.add.f32.msk $0xffff, v1  }
0x22a: {  	[tilespmem:v5+s14+$0x0] =	vst.idx.add.f32.msk $0xffff, v1  }
0x22b: {  	[tilespmem:v6+s14+$0x0] =	vst.idx.add.f32.msk $0xffff, v1  }
0x22c: {  	[tilespmem:v7+s14+$0x0] =	vst.idx.add.f32.msk $0xffff, v1  }
0x22d: {  	[tilespmem:v8+s14+$0x0] =	vst.idx.add.f32.msk $0xffff, v1  }
0x22e: {  	s20 =	simm.s32 $0x0;
	[tilespmem:v9+s14+$0x0] =	vst.idx.add.f32.msk $0xffff, v1  }
.LBB2_36:
0x22f: {  	s20 =	sadd.s32 $0x8, s20;
	[tilespmem:v2+s14+$0x0] =	vst.idx.add.f32.msk $0xffff, v1;
	s19 =	sadd.s32 $0x200, s19  }
0x230: {  	v3 =	vld [tilespmem:s19+$0xFFFFFF90];
	p0 =	slt.u32 s20, $0xF8  }
0x231: {  	v4 =	vld [tilespmem:s19+$0x0]  }
0x232: {  	v5 =	vld [tilespmem:s19+$0xFFFFFFF0]  }
0x233: {  	v6 =	vld [tilespmem:s19+$0xFFFFFFE0]  }
0x234: {  	v7 =	vld [tilespmem:s19+$0xFFFFFFD0]  }
0x235: {  	v8 =	vld [tilespmem:s19+$0xFFFFFFC0]  }
0x236: {  	v9 =	vld [tilespmem:s19+$0xFFFFFFB0]  }
0x237: {  	v2 =	vld [tilespmem:s19+$0xFFFFFFA0]  }
0x238: {  	[tilespmem:v3+s14+$0x0] =	vst.idx.add.f32.msk $0xffff, v1  }
0x239: {  	[tilespmem:v4+s14+$0x0] =	vst.idx.add.f32.msk $0xffff, v1  }
.Ltmp17:
0x23a: {  	[tilespmem:v5+s14+$0x0] =	vst.idx.add.f32.msk $0xffff, v1;
	(pc) =	sbr.rel @p0 .LBB2_36-.Ltmp17, $4  }
0x23b: {  	[tilespmem:v6+s14+$0x0] =	vst.idx.add.f32.msk $0xffff, v1  }
0x23c: {  	[tilespmem:v7+s14+$0x0] =	vst.idx.add.f32.msk $0xffff, v1  }
0x23d: {  	[tilespmem:v8+s14+$0x0] =	vst.idx.add.f32.msk $0xffff, v1  }
0x23e: {  	[tilespmem:v9+s14+$0x0] =	vst.idx.add.f32.msk $0xffff, v1  }
0x23f: {  	_ =	sdelay $0x1  }
0x240: {  	s18 =	sadd.s32 $0x1, s18  }
0x241: {  	p0 =	sne.s32 s18, s9  }
.Ltmp18:
0x242: {  	[tilespmem:v2+s14+$0x0] =	vst.idx.add.f32.msk $0xffff, v1;
	(pc) =	sbr.rel @p0 .LBB2_1-.Ltmp18, $4  }
0x243: {  	[hbm4b:s8+s16] =	stream.strided.scatter [tilespmem:s14], [sflag:$0x3], $0x2000, s11, s16, $0x38;
	[tilespmem:$0xA000] =	vst v63  }
0x244: {  	_ =	swait.ge [sflag:s17], $0x2000  }
0x245: {  	[sflag:s17] =	ssyncset.done $0x0  }
0x246: {  	[sflag:s17] =	ssyncadd.s32 $0xFFFFE000  }
0x247: {  	_ =	sfence.sel $0x180000  }
0x248: {  	[bflag:$0x0] =	sbarrier.arrive $0xFFFF  }
0x249: {  	p0 =	sne.s32 s2, $0x0;
	_ =	strace $0x90000047  }
0x24a: {  	s0 =	sadd.s32 @!p0 $0x100000, s0;
	[bflag:$0x2] =	sbarrier.arrive $0xFFFF  }
0x24b: {  	[sflag:s0] =	ssyncadd.tile.s32 @!p0 $0x1;
	_ =	shalt  }
.Lfunc_end2:
_tile_overlayer_lowered:
.L_overlay_start_2:
0x24c: {  	(tag) =	ssettag $0x2  }
0x24d: {  	s0 =	rddreg [dreg:$0x0];
	s2 =	stileid.u32  }
0x24e: {  	s1 =	rddreg [dreg:$0x1];
	p0 =	sne.s32 s2, $0x0  }
0x24f: {  	s3 =	rddreg [dreg:$0x2];
	[bflag:$0x3] =	sbarrier.arrive $0xFFFF;
	s2 =	simm.s32 @!p0 $0x1C03  }
0x250: {  	[timem:s3], [sflag:s2] =	dma.local @!p0 [hbm:s0], s1  }
0x251: {  	s0 =	simm.s32 @!p0 $0x3  }
0x252: {  	_ =	swait.ge @!p0 [sflag:s0], s1  }
0x253: {  	s1 =	ssub.s32 @!p0 $0x0, s1;
	[sflag:s0] =	ssyncset.done @!p0 $0x0  }
0x254: {  	[sflag:s0] =	ssyncadd.s32 @!p0 s1  }
0x255: {  	[bflag:$0x3] =	sbarrier.arrive $0xFFFF  }
0x256: {  	_ =	shalt  }

</sc_bundles>
